<compile_context>
chip_gen: v7x
topology: tpu7x:2x2x1
jax: 0.10.2.dev20260603
libtpu: 0.0.44.dev20260713+nightly
codegen_flags: <defaults>
</compile_context>

<pallas_src>
import functools

import jax
import jax.numpy as jnp
from jax import lax
from jax.experimental import pallas as pl
from jax.experimental.pallas import tpu as pltpu
from jax.experimental.pallas import tpu_sc as plsc

N = 512
R = N - 1
P = N * R
W5 = 5 * R
NC, NS = 2, 16
NW = NC * NS
ROWS_PER_W = N // NW
GROUP = 8
RGRP = GROUP * W5
SGRP = GROUP * R


def _sc_pairs(rois_flat, labels, scores):
    mesh = plsc.VectorSubcoreMesh(core_axis_name="c", subcore_axis_name="s",
                                  num_cores=NC, num_subcores=NS)
    f32, i32 = jnp.float32, jnp.int32

    @functools.partial(
        pl.kernel,
        out_type=(
            jax.ShapeDtypeStruct((N * W5,), f32),
            jax.ShapeDtypeStruct((N * W5,), f32),
            jax.ShapeDtypeStruct((N * W5,), f32),
            jax.ShapeDtypeStruct((P,), i32),
            jax.ShapeDtypeStruct((P,), i32),
            jax.ShapeDtypeStruct((P,), f32),
            jax.ShapeDtypeStruct((P,), f32),
            jax.ShapeDtypeStruct((P,), i32),
            jax.ShapeDtypeStruct((P,), i32),
        ),
        mesh=mesh,
        compiler_params=pltpu.CompilerParams(needs_layout_passes=False),
        scratch_types=(
            pltpu.VMEM((2576,), f32),
            pltpu.VMEM((528,), i32),
            pltpu.VMEM((528,), f32),
            pltpu.VMEM((20448,), f32),
            pltpu.VMEM((20448,), f32),
            pltpu.VMEM((20448,), f32),
            pltpu.VMEM((4096,), i32),
            pltpu.VMEM((4096,), i32),
            pltpu.VMEM((4096,), f32),
            pltpu.VMEM((4096,), f32),
            pltpu.VMEM((4096,), i32),
            pltpu.VMEM((4096,), i32),
        ),
    )
    def k(rois_hbm, lab_hbm, sco_hbm,
          srois_out, orois_out, rrois_out,
          slab_out, olab_out, ssc_out, osc_out, sind_out, oind_out,
          detv, labv, scov, sbuf, obuf, rbuf,
          slabb, olabb, sscb, oscb, sindb, oindb):
        wid = lax.axis_index("s") * NC + lax.axis_index("c")
        pltpu.sync_copy(rois_hbm, detv.at[pl.ds(0, 5 * N)])
        pltpu.sync_copy(lab_hbm, labv.at[pl.ds(0, N)])
        pltpu.sync_copy(sco_hbm, scov.at[pl.ds(0, N)])

        lane = lax.iota(i32, 16)
        colp = [(lane + 16 * p) % 5 for p in range(5)]
        is0 = [c == 0 for c in colp]
        ismin = [(c == 1) | (c == 2) for c in colp]

        for g in range(2):
            i0 = wid * ROWS_PER_W + g * GROUP

            def row_body(t, _):
                i = i0 + t
                i5 = 5 * i
                i5v = jnp.full((16,), i5, i32)
                iv = jnp.full((16,), i, i32)
                sbjpat = [plsc.load_gather(detv, [i5v + colp[p]])
                          for p in range(5)]
                slabv = plsc.load_gather(labv, [iv])
                sscv = plsc.load_gather(scov, [iv])
                rbase = t * W5
                sbase = t * R

                def u_body(u, _):
                    w0 = u * 80
                    for p in range(5):
                        wv = (w0 + 16 * p) + lane
                        src = wv + jnp.where(wv >= i5v, 5, 0)
                        obj = plsc.load_gather(detv, [src])
                        off = rbase + w0 + 16 * p
                        obuf[pl.ds(off, 16)] = obj
                        sbuf[pl.ds(off, 16)] = sbjpat[p]
                        rel = jnp.where(
                            is0[p], sbjpat[p],
                            jnp.where(ismin[p],
                                      jnp.minimum(obj, sbjpat[p]),
                                      jnp.maximum(obj, sbjpat[p])))
                        rbuf[pl.ds(off, 16)] = rel
                    return 0

                lax.fori_loop(0, 32, u_body, 0)

                def v_body(u, _):
                    jv = u * 16 + lane
                    jp = jv + jnp.where(jv >= iv, 1, 0)
                    off = sbase + u * 16
                    olabb[pl.ds(off, 16)] = plsc.load_gather(labv, [jp])
                    oscb[pl.ds(off, 16)] = plsc.load_gather(scov, [jp])
                    oindb[pl.ds(off, 16)] = jp
                    sindb[pl.ds(off, 16)] = iv
                    slabb[pl.ds(off, 16)] = slabv
                    sscb[pl.ds(off, 16)] = sscv
                    return 0

                lax.fori_loop(0, 32, v_body, 0)
                return 0

            lax.fori_loop(0, GROUP, row_body, 0)

            roff = pl.multiple_of((wid * 2 + g) * RGRP, 8)
            soff = pl.multiple_of((wid * 2 + g) * SGRP, 8)
            pltpu.sync_copy(sbuf.at[pl.ds(0, RGRP)], srois_out.at[pl.ds(roff, RGRP)])
            pltpu.sync_copy(obuf.at[pl.ds(0, RGRP)], orois_out.at[pl.ds(roff, RGRP)])
            pltpu.sync_copy(rbuf.at[pl.ds(0, RGRP)], rrois_out.at[pl.ds(roff, RGRP)])
            pltpu.sync_copy(slabb.at[pl.ds(0, SGRP)], slab_out.at[pl.ds(soff, SGRP)])
            pltpu.sync_copy(olabb.at[pl.ds(0, SGRP)], olab_out.at[pl.ds(soff, SGRP)])
            pltpu.sync_copy(sscb.at[pl.ds(0, SGRP)], ssc_out.at[pl.ds(soff, SGRP)])
            pltpu.sync_copy(oscb.at[pl.ds(0, SGRP)], osc_out.at[pl.ds(soff, SGRP)])
            pltpu.sync_copy(sindb.at[pl.ds(0, SGRP)], sind_out.at[pl.ds(soff, SGRP)])
            pltpu.sync_copy(oindb.at[pl.ds(0, SGRP)], oind_out.at[pl.ds(soff, SGRP)])

    return k(rois_flat, labels, scores)


def kernel(det_rois, det_labels, det_scores, im_info):
    del im_info
    rois_flat = det_rois.reshape(-1)
    (srois, orois, rrois, slab, olab, ssc, osc, sind, oind) = _sc_pairs(
        rois_flat, det_labels.astype(jnp.int32), det_scores)
    fg_size = jnp.full((1,), P, jnp.int32)
    return (det_rois, sind, oind,
            srois.reshape(P, 5), orois.reshape(P, 5), rrois.reshape(P, 5),
            slab, olab, ssc, osc, fg_size)

# --- scband reference (transcript-rebuilt; emitter-appended) ---
"""Pipeline reference for scband-single-scale-pairs-pn-outputs-67095979099060 (READ-ONLY COPY).

The authoritative reference and input builder live on the scoring server;
editing this copy changes nothing except your own understanding.
"""

import jax, jax.numpy as jnp
import numpy as np

N = 512

def setup_inputs(seed: int = 0) -> dict:
    key = jax.random.key(seed)
    k1, k2, k3 = jax.random.split(key, 3)
    det_rois = jax.random.uniform(k1, (N, 5), dtype=jnp.float32) * 600.0
    det_labels = jax.random.randint(k2, (N,), 0, 150)
    det_scores = jax.random.uniform(k3, (N,), dtype=jnp.float32)
    im_info = jnp.ones((1, 3), dtype=jnp.float32)
    return {"det_rois": det_rois, "det_labels": det_labels,
            "det_scores": det_scores, "im_info": im_info}

def _pair_indices(n):
    sbj = np.repeat(np.arange(n), n)
    obj = np.tile(np.arange(n), n)
    if n > 1:
        mask = np.ones(sbj.shape[0], dtype=bool)
        for i in range(n):
            mask[i + n * i] = False
        keeps = np.where(mask)[0]
        sbj = sbj[keeps]
        obj = obj[keeps]
    return jnp.asarray(sbj, dtype=jnp.int32), jnp.asarray(obj, dtype=jnp.int32)

def reference(det_rois, det_labels, det_scores, im_info):
    n = det_rois.shape[0]
    sbj_inds, obj_inds = _pair_indices(n)
    # gather-heavy pair expansion (memory bound)
    sbj_rois = jnp.take(det_rois, sbj_inds, axis=0)
    obj_rois = jnp.take(det_rois, obj_inds, axis=0)
    im_scale = im_info[0, 2]
    sbj_boxes = sbj_rois[:, 1:] / im_scale  # computed as in original (unused when overlap=False)
    obj_boxes = obj_rois[:, 1:] / im_scale
    sbj_labels = jnp.take(det_labels, sbj_inds, axis=0)
    obj_labels = jnp.take(det_labels, obj_inds, axis=0)
    sbj_scores = jnp.take(det_scores, sbj_inds, axis=0)
    obj_scores = jnp.take(det_scores, obj_inds, axis=0)
    # rois_union: union bounding box, keep batch index column from sbj
    xmin = jnp.minimum(sbj_rois[:, 1], obj_rois[:, 1])
    ymin = jnp.minimum(sbj_rois[:, 2], obj_rois[:, 2])
    xmax = jnp.maximum(sbj_rois[:, 3], obj_rois[:, 3])
    ymax = jnp.maximum(sbj_rois[:, 4], obj_rois[:, 4])
    rel_rois = jnp.stack([sbj_rois[:, 0], xmin, ymin, xmax, ymax], axis=1)
    fg_size = jnp.array([sbj_rois.shape[0]], dtype=jnp.int32)
    return (det_rois, sbj_inds, obj_inds, sbj_rois, obj_rois, rel_rois,
            sbj_labels, obj_labels, sbj_scores, obj_scores, fg_size)

if __name__ == "__main__":
    import jax
    _d = setup_inputs()
    print(jax.jit(kernel)(*tuple(_d.values())))

</pallas_src>

<mosaic_0001>
#map = affine_map<(d0, d1) -> (0)>
module attributes {stable_mosaic.version = 14 : i64} {
  func.func @k(%arg0: i32, %arg1: i32, %arg2: memref<2560xf32, #tpu.memory_space<hbm>>, %arg3: memref<512xi32, #tpu.memory_space<hbm>>, %arg4: memref<512xf32, #tpu.memory_space<hbm>>, %arg5: memref<1308160xf32, #tpu.memory_space<hbm>>, %arg6: memref<1308160xf32, #tpu.memory_space<hbm>>, %arg7: memref<1308160xf32, #tpu.memory_space<hbm>>, %arg8: memref<261632xi32, #tpu.memory_space<hbm>>, %arg9: memref<261632xi32, #tpu.memory_space<hbm>>, %arg10: memref<261632xf32, #tpu.memory_space<hbm>>, %arg11: memref<261632xf32, #tpu.memory_space<hbm>>, %arg12: memref<261632xi32, #tpu.memory_space<hbm>>, %arg13: memref<261632xi32, #tpu.memory_space<hbm>>, %arg14: memref<2576xf32, #tpu.memory_space<vmem>>, %arg15: memref<528xi32, #tpu.memory_space<vmem>>, %arg16: memref<528xf32, #tpu.memory_space<vmem>>, %arg17: memref<20448xf32, #tpu.memory_space<vmem>>, %arg18: memref<20448xf32, #tpu.memory_space<vmem>>, %arg19: memref<20448xf32, #tpu.memory_space<vmem>>, %arg20: memref<4096xi32, #tpu.memory_space<vmem>>, %arg21: memref<4096xi32, #tpu.memory_space<vmem>>, %arg22: memref<4096xf32, #tpu.memory_space<vmem>>, %arg23: memref<4096xf32, #tpu.memory_space<vmem>>, %arg24: memref<4096xi32, #tpu.memory_space<vmem>>, %arg25: memref<4096xi32, #tpu.memory_space<vmem>>) attributes {dimension_semantics = [#tpu.dimension_semantics<core_parallel>, #tpu.dimension_semantics<subcore_parallel>], iteration_bounds = array<i64: 2, 16>, scalar_prefetch = 0 : i64, scratch_operands = 12 : i64, tpu.core_type = #tpu.core_type<sc_vector_subcore>, window_params = [{transform_indices = #map}, {transform_indices = #map}, {transform_indices = #map}, {transform_indices = #map}, {transform_indices = #map}, {transform_indices = #map}, {transform_indices = #map}, {transform_indices = #map}, {transform_indices = #map}, {transform_indices = #map}, {transform_indices = #map}, {transform_indices = #map}]} {
    %mul3A = arith.constant 2 : i32
    %mul3A_0 = arith.muli %arg1, %mul3A : i32
    %add3A = arith.addi %mul3A_0, %arg0 : i32
    "tpu.region"() ({
      %run_scoped3A = tpu.sem_alloc : memref<!tpu.dma_semaphore, #tpu.memory_space<semaphore_mem>>
      %dma_start3A = arith.constant 0 : i32
      %dma_start3A_216 = tpu.memref_slice %arg14[%dma_start3A] : memref<2576xf32, #tpu.memory_space<vmem>> -> memref<2560xf32, #tpu.memory_space<vmem>>
      %dma_start3A_217 = arith.constant 0 : i32
      %dma_start3A_218 = tpu.memref_slice %arg14[%dma_start3A_217] : memref<2576xf32, #tpu.memory_space<vmem>> -> memref<2560xf32, #tpu.memory_space<vmem>>
      tpu.enqueue_dma source(%arg2 : memref<2560xf32, #tpu.memory_space<hbm>>) target(%dma_start3A_218 : memref<2560xf32, #tpu.memory_space<vmem>>) target_semaphore(%run_scoped3A : memref<!tpu.dma_semaphore, #tpu.memory_space<semaphore_mem>>)
      %dma_wait3A = arith.constant 0 : i32
      %dma_wait3A_219 = tpu.memref_slice %arg14[%dma_wait3A] : memref<2576xf32, #tpu.memory_space<vmem>> -> memref<2560xf32, #tpu.memory_space<vmem>>
      %dma_wait3A_220 = arith.constant 0 : i32
      %dma_wait3A_221 = tpu.memref_slice %arg14[%dma_wait3A_220] : memref<2576xf32, #tpu.memory_space<vmem>> -> memref<2560xf32, #tpu.memory_space<vmem>>
      tpu.wait_dma2 semaphore(%run_scoped3A : memref<!tpu.dma_semaphore, #tpu.memory_space<semaphore_mem>>) src(%arg2 : memref<2560xf32, #tpu.memory_space<hbm>>) dst(%dma_wait3A_221 : memref<2560xf32, #tpu.memory_space<vmem>>)
      tpu.yield
    }) : () -> ()
    "tpu.region"() ({
      %run_scoped3A = tpu.sem_alloc : memref<!tpu.dma_semaphore, #tpu.memory_space<semaphore_mem>>
      %dma_start3A = arith.constant 0 : i32
      %dma_start3A_216 = tpu.memref_slice %arg15[%dma_start3A] : memref<528xi32, #tpu.memory_space<vmem>> -> memref<512xi32, #tpu.memory_space<vmem>>
      %dma_start3A_217 = arith.constant 0 : i32
      %dma_start3A_218 = tpu.memref_slice %arg15[%dma_start3A_217] : memref<528xi32, #tpu.memory_space<vmem>> -> memref<512xi32, #tpu.memory_space<vmem>>
      tpu.enqueue_dma source(%arg3 : memref<512xi32, #tpu.memory_space<hbm>>) target(%dma_start3A_218 : memref<512xi32, #tpu.memory_space<vmem>>) target_semaphore(%run_scoped3A : memref<!tpu.dma_semaphore, #tpu.memory_space<semaphore_mem>>)
      %dma_wait3A = arith.constant 0 : i32
      %dma_wait3A_219 = tpu.memref_slice %arg15[%dma_wait3A] : memref<528xi32, #tpu.memory_space<vmem>> -> memref<512xi32, #tpu.memory_space<vmem>>
      %dma_wait3A_220 = arith.constant 0 : i32
      %dma_wait3A_221 = tpu.memref_slice %arg15[%dma_wait3A_220] : memref<528xi32, #tpu.memory_space<vmem>> -> memref<512xi32, #tpu.memory_space<vmem>>
      tpu.wait_dma2 semaphore(%run_scoped3A : memref<!tpu.dma_semaphore, #tpu.memory_space<semaphore_mem>>) src(%arg3 : memref<512xi32, #tpu.memory_space<hbm>>) dst(%dma_wait3A_221 : memref<512xi32, #tpu.memory_space<vmem>>)
      tpu.yield
    }) : () -> ()
    "tpu.region"() ({
      %run_scoped3A = tpu.sem_alloc : memref<!tpu.dma_semaphore, #tpu.memory_space<semaphore_mem>>
      %dma_start3A = arith.constant 0 : i32
      %dma_start3A_216 = tpu.memref_slice %arg16[%dma_start3A] : memref<528xf32, #tpu.memory_space<vmem>> -> memref<512xf32, #tpu.memory_space<vmem>>
      %dma_start3A_217 = arith.constant 0 : i32
      %dma_start3A_218 = tpu.memref_slice %arg16[%dma_start3A_217] : memref<528xf32, #tpu.memory_space<vmem>> -> memref<512xf32, #tpu.memory_space<vmem>>
      tpu.enqueue_dma source(%arg4 : memref<512xf32, #tpu.memory_space<hbm>>) target(%dma_start3A_218 : memref<512xf32, #tpu.memory_space<vmem>>) target_semaphore(%run_scoped3A : memref<!tpu.dma_semaphore, #tpu.memory_space<semaphore_mem>>)
      %dma_wait3A = arith.constant 0 : i32
      %dma_wait3A_219 = tpu.memref_slice %arg16[%dma_wait3A] : memref<528xf32, #tpu.memory_space<vmem>> -> memref<512xf32, #tpu.memory_space<vmem>>
      %dma_wait3A_220 = arith.constant 0 : i32
      %dma_wait3A_221 = tpu.memref_slice %arg16[%dma_wait3A_220] : memref<528xf32, #tpu.memory_space<vmem>> -> memref<512xf32, #tpu.memory_space<vmem>>
      tpu.wait_dma2 semaphore(%run_scoped3A : memref<!tpu.dma_semaphore, #tpu.memory_space<semaphore_mem>>) src(%arg4 : memref<512xf32, #tpu.memory_space<hbm>>) dst(%dma_wait3A_221 : memref<512xf32, #tpu.memory_space<vmem>>)
      tpu.yield
    }) : () -> ()
    %iota3A = tpu.iota {dimensions = array<i32: 0>} : vector<16xi32>
    %add3A_1 = arith.constant 0 : i32
    %add3A_2 = vector.broadcast %add3A_1 : i32 to vector<16xi32>
    %add3A_3 = arith.addi %iota3A, %add3A_2 : vector<16xi32>
    %jit3A = arith.constant 5 : i32
    %eq3A = arith.constant 0 : i32
    %eq3A_4 = arith.cmpi eq, %jit3A, %eq3A : i32
    %jit3A_5 = arith.constant 1 : i32
    %select_n3A = arith.select %eq3A_4, %jit3A_5, %jit3A : i32
    %rem3A = vector.broadcast %select_n3A : i32 to vector<16xi32>
    %rem3A_6 = arith.remsi %add3A_3, %rem3A : vector<16xi32>
    %ne3A = arith.constant 0 : i32
    %ne3A_7 = vector.broadcast %ne3A : i32 to vector<16xi32>
    %ne3A_8 = arith.cmpi ne, %rem3A_6, %ne3A_7 : vector<16xi32>
    %lt3A = arith.constant 0 : i32
    %lt3A_9 = vector.broadcast %lt3A : i32 to vector<16xi32>
    %lt3A_10 = arith.cmpi slt, %rem3A_6, %lt3A_9 : vector<16xi32>
    %lt3A_11 = arith.constant 0 : i32
    %lt3A_12 = arith.cmpi slt, %select_n3A, %lt3A_11 : i32
    %ne3A_13 = vector.broadcast %lt3A_12 : i1 to vector<16xi1>
    %ne3A_14 = vector.broadcast %ne3A_13 : vector<16xi1> to vector<16xi1>
    %ne3A_15 = arith.xori %lt3A_10, %ne3A_14 : vector<16xi1>
    %and3A = arith.andi %ne3A_15, %ne3A_8 : vector<16xi1>
    %add3A_16 = vector.broadcast %select_n3A : i32 to vector<16xi32>
    %add3A_17 = arith.addi %rem3A_6, %add3A_16 : vector<16xi32>
    %select_n3A_18 = arith.select %and3A, %add3A_17, %rem3A_6 : vector<16xi1>, vector<16xi32>
    %add3A_19 = arith.constant 16 : i32
    %add3A_20 = vector.broadcast %add3A_19 : i32 to vector<16xi32>
    %add3A_21 = arith.addi %iota3A, %add3A_20 : vector<16xi32>
    %jit3A_22 = arith.constant 5 : i32
    %eq3A_23 = arith.constant 0 : i32
    %eq3A_24 = arith.cmpi eq, %jit3A_22, %eq3A_23 : i32
    %jit3A_25 = arith.constant 1 : i32
    %select_n3A_26 = arith.select %eq3A_24, %jit3A_25, %jit3A_22 : i32
    %rem3A_27 = vector.broadcast %select_n3A_26 : i32 to vector<16xi32>
    %rem3A_28 = arith.remsi %add3A_21, %rem3A_27 : vector<16xi32>
    %ne3A_29 = arith.constant 0 : i32
    %ne3A_30 = vector.broadcast %ne3A_29 : i32 to vector<16xi32>
    %ne3A_31 = arith.cmpi ne, %rem3A_28, %ne3A_30 : vector<16xi32>
    %lt3A_32 = arith.constant 0 : i32
    %lt3A_33 = vector.broadcast %lt3A_32 : i32 to vector<16xi32>
    %lt3A_34 = arith.cmpi slt, %rem3A_28, %lt3A_33 : vector<16xi32>
    %lt3A_35 = arith.constant 0 : i32
    %lt3A_36 = arith.cmpi slt, %select_n3A_26, %lt3A_35 : i32
    %ne3A_37 = vector.broadcast %lt3A_36 : i1 to vector<16xi1>
    %ne3A_38 = vector.broadcast %ne3A_37 : vector<16xi1> to vector<16xi1>
    %ne3A_39 = arith.xori %lt3A_34, %ne3A_38 : vector<16xi1>
    %and3A_40 = arith.andi %ne3A_39, %ne3A_31 : vector<16xi1>
    %add3A_41 = vector.broadcast %select_n3A_26 : i32 to vector<16xi32>
    %add3A_42 = arith.addi %rem3A_28, %add3A_41 : vector<16xi32>
    %select_n3A_43 = arith.select %and3A_40, %add3A_42, %rem3A_28 : vector<16xi1>, vector<16xi32>
    %add3A_44 = arith.constant 32 : i32
    %add3A_45 = vector.broadcast %add3A_44 : i32 to vector<16xi32>
    %add3A_46 = arith.addi %iota3A, %add3A_45 : vector<16xi32>
    %jit3A_47 = arith.constant 5 : i32
    %eq3A_48 = arith.constant 0 : i32
    %eq3A_49 = arith.cmpi eq, %jit3A_47, %eq3A_48 : i32
    %jit3A_50 = arith.constant 1 : i32
    %select_n3A_51 = arith.select %eq3A_49, %jit3A_50, %jit3A_47 : i32
    %rem3A_52 = vector.broadcast %select_n3A_51 : i32 to vector<16xi32>
    %rem3A_53 = arith.remsi %add3A_46, %rem3A_52 : vector<16xi32>
    %ne3A_54 = arith.constant 0 : i32
    %ne3A_55 = vector.broadcast %ne3A_54 : i32 to vector<16xi32>
    %ne3A_56 = arith.cmpi ne, %rem3A_53, %ne3A_55 : vector<16xi32>
    %lt3A_57 = arith.constant 0 : i32
    %lt3A_58 = vector.broadcast %lt3A_57 : i32 to vector<16xi32>
    %lt3A_59 = arith.cmpi slt, %rem3A_53, %lt3A_58 : vector<16xi32>
    %lt3A_60 = arith.constant 0 : i32
    %lt3A_61 = arith.cmpi slt, %select_n3A_51, %lt3A_60 : i32
    %ne3A_62 = vector.broadcast %lt3A_61 : i1 to vector<16xi1>
    %ne3A_63 = vector.broadcast %ne3A_62 : vector<16xi1> to vector<16xi1>
    %ne3A_64 = arith.xori %lt3A_59, %ne3A_63 : vector<16xi1>
    %and3A_65 = arith.andi %ne3A_64, %ne3A_56 : vector<16xi1>
    %add3A_66 = vector.broadcast %select_n3A_51 : i32 to vector<16xi32>
    %add3A_67 = arith.addi %rem3A_53, %add3A_66 : vector<16xi32>
    %select_n3A_68 = arith.select %and3A_65, %add3A_67, %rem3A_53 : vector<16xi1>, vector<16xi32>
    %add3A_69 = arith.constant 48 : i32
    %add3A_70 = vector.broadcast %add3A_69 : i32 to vector<16xi32>
    %add3A_71 = arith.addi %iota3A, %add3A_70 : vector<16xi32>
    %jit3A_72 = arith.constant 5 : i32
    %eq3A_73 = arith.constant 0 : i32
    %eq3A_74 = arith.cmpi eq, %jit3A_72, %eq3A_73 : i32
    %jit3A_75 = arith.constant 1 : i32
    %select_n3A_76 = arith.select %eq3A_74, %jit3A_75, %jit3A_72 : i32
    %rem3A_77 = vector.broadcast %select_n3A_76 : i32 to vector<16xi32>
    %rem3A_78 = arith.remsi %add3A_71, %rem3A_77 : vector<16xi32>
    %ne3A_79 = arith.constant 0 : i32
    %ne3A_80 = vector.broadcast %ne3A_79 : i32 to vector<16xi32>
    %ne3A_81 = arith.cmpi ne, %rem3A_78, %ne3A_80 : vector<16xi32>
    %lt3A_82 = arith.constant 0 : i32
    %lt3A_83 = vector.broadcast %lt3A_82 : i32 to vector<16xi32>
    %lt3A_84 = arith.cmpi slt, %rem3A_78, %lt3A_83 : vector<16xi32>
    %lt3A_85 = arith.constant 0 : i32
    %lt3A_86 = arith.cmpi slt, %select_n3A_76, %lt3A_85 : i32
    %ne3A_87 = vector.broadcast %lt3A_86 : i1 to vector<16xi1>
    %ne3A_88 = vector.broadcast %ne3A_87 : vector<16xi1> to vector<16xi1>
    %ne3A_89 = arith.xori %lt3A_84, %ne3A_88 : vector<16xi1>
    %and3A_90 = arith.andi %ne3A_89, %ne3A_81 : vector<16xi1>
    %add3A_91 = vector.broadcast %select_n3A_76 : i32 to vector<16xi32>
    %add3A_92 = arith.addi %rem3A_78, %add3A_91 : vector<16xi32>
    %select_n3A_93 = arith.select %and3A_90, %add3A_92, %rem3A_78 : vector<16xi1>, vector<16xi32>
    %add3A_94 = arith.constant 64 : i32
    %add3A_95 = vector.broadcast %add3A_94 : i32 to vector<16xi32>
    %add3A_96 = arith.addi %iota3A, %add3A_95 : vector<16xi32>
    %jit3A_97 = arith.constant 5 : i32
    %eq3A_98 = arith.constant 0 : i32
    %eq3A_99 = arith.cmpi eq, %jit3A_97, %eq3A_98 : i32
    %jit3A_100 = arith.constant 1 : i32
    %select_n3A_101 = arith.select %eq3A_99, %jit3A_100, %jit3A_97 : i32
    %rem3A_102 = vector.broadcast %select_n3A_101 : i32 to vector<16xi32>
    %rem3A_103 = arith.remsi %add3A_96, %rem3A_102 : vector<16xi32>
    %ne3A_104 = arith.constant 0 : i32
    %ne3A_105 = vector.broadcast %ne3A_104 : i32 to vector<16xi32>
    %ne3A_106 = arith.cmpi ne, %rem3A_103, %ne3A_105 : vector<16xi32>
    %lt3A_107 = arith.constant 0 : i32
    %lt3A_108 = vector.broadcast %lt3A_107 : i32 to vector<16xi32>
    %lt3A_109 = arith.cmpi slt, %rem3A_103, %lt3A_108 : vector<16xi32>
    %lt3A_110 = arith.constant 0 : i32
    %lt3A_111 = arith.cmpi slt, %select_n3A_101, %lt3A_110 : i32
    %ne3A_112 = vector.broadcast %lt3A_111 : i1 to vector<16xi1>
    %ne3A_113 = vector.broadcast %ne3A_112 : vector<16xi1> to vector<16xi1>
    %ne3A_114 = arith.xori %lt3A_109, %ne3A_113 : vector<16xi1>
    %and3A_115 = arith.andi %ne3A_114, %ne3A_106 : vector<16xi1>
    %add3A_116 = vector.broadcast %select_n3A_101 : i32 to vector<16xi32>
    %add3A_117 = arith.addi %rem3A_103, %add3A_116 : vector<16xi32>
    %select_n3A_118 = arith.select %and3A_115, %add3A_117, %rem3A_103 : vector<16xi1>, vector<16xi32>
    %eq3A_119 = arith.constant 0 : i32
    %eq3A_120 = vector.broadcast %eq3A_119 : i32 to vector<16xi32>
    %eq3A_121 = arith.cmpi eq, %select_n3A_18, %eq3A_120 : vector<16xi32>
    %eq3A_122 = arith.constant 0 : i32
    %eq3A_123 = vector.broadcast %eq3A_122 : i32 to vector<16xi32>
    %eq3A_124 = arith.cmpi eq, %select_n3A_43, %eq3A_123 : vector<16xi32>
    %eq3A_125 = arith.constant 0 : i32
    %eq3A_126 = vector.broadcast %eq3A_125 : i32 to vector<16xi32>
    %eq3A_127 = arith.cmpi eq, %select_n3A_68, %eq3A_126 : vector<16xi32>
    %eq3A_128 = arith.constant 0 : i32
    %eq3A_129 = vector.broadcast %eq3A_128 : i32 to vector<16xi32>
    %eq3A_130 = arith.cmpi eq, %select_n3A_93, %eq3A_129 : vector<16xi32>
    %eq3A_131 = arith.constant 0 : i32
    %eq3A_132 = vector.broadcast %eq3A_131 : i32 to vector<16xi32>
    %eq3A_133 = arith.cmpi eq, %select_n3A_118, %eq3A_132 : vector<16xi32>
    %eq3A_134 = arith.constant 1 : i32
    %eq3A_135 = vector.broadcast %eq3A_134 : i32 to vector<16xi32>
    %eq3A_136 = arith.cmpi eq, %select_n3A_18, %eq3A_135 : vector<16xi32>
    %eq3A_137 = arith.constant 2 : i32
    %eq3A_138 = vector.broadcast %eq3A_137 : i32 to vector<16xi32>
    %eq3A_139 = arith.cmpi eq, %select_n3A_18, %eq3A_138 : vector<16xi32>
    %or3A = arith.ori %eq3A_136, %eq3A_139 : vector<16xi1>
    %eq3A_140 = arith.constant 1 : i32
    %eq3A_141 = vector.broadcast %eq3A_140 : i32 to vector<16xi32>
    %eq3A_142 = arith.cmpi eq, %select_n3A_43, %eq3A_141 : vector<16xi32>
    %eq3A_143 = arith.constant 2 : i32
    %eq3A_144 = vector.broadcast %eq3A_143 : i32 to vector<16xi32>
    %eq3A_145 = arith.cmpi eq, %select_n3A_43, %eq3A_144 : vector<16xi32>
    %or3A_146 = arith.ori %eq3A_142, %eq3A_145 : vector<16xi1>
    %eq3A_147 = arith.constant 1 : i32
    %eq3A_148 = vector.broadcast %eq3A_147 : i32 to vector<16xi32>
    %eq3A_149 = arith.cmpi eq, %select_n3A_68, %eq3A_148 : vector<16xi32>
    %eq3A_150 = arith.constant 2 : i32
    %eq3A_151 = vector.broadcast %eq3A_150 : i32 to vector<16xi32>
    %eq3A_152 = arith.cmpi eq, %select_n3A_68, %eq3A_151 : vector<16xi32>
    %or3A_153 = arith.ori %eq3A_149, %eq3A_152 : vector<16xi1>
    %eq3A_154 = arith.constant 1 : i32
    %eq3A_155 = vector.broadcast %eq3A_154 : i32 to vector<16xi32>
    %eq3A_156 = arith.cmpi eq, %select_n3A_93, %eq3A_155 : vector<16xi32>
    %eq3A_157 = arith.constant 2 : i32
    %eq3A_158 = vector.broadcast %eq3A_157 : i32 to vector<16xi32>
    %eq3A_159 = arith.cmpi eq, %select_n3A_93, %eq3A_158 : vector<16xi32>
    %or3A_160 = arith.ori %eq3A_156, %eq3A_159 : vector<16xi1>
    %eq3A_161 = arith.constant 1 : i32
    %eq3A_162 = vector.broadcast %eq3A_161 : i32 to vector<16xi32>
    %eq3A_163 = arith.cmpi eq, %select_n3A_118, %eq3A_162 : vector<16xi32>
    %eq3A_164 = arith.constant 2 : i32
    %eq3A_165 = vector.broadcast %eq3A_164 : i32 to vector<16xi32>
    %eq3A_166 = arith.cmpi eq, %select_n3A_118, %eq3A_165 : vector<16xi32>
    %or3A_167 = arith.ori %eq3A_163, %eq3A_166 : vector<16xi1>
    %mul3A_168 = arith.constant 16 : i32
    %mul3A_169 = arith.muli %add3A, %mul3A_168 : i32
    %add3A_170 = arith.constant 0 : i32
    %add3A_171 = arith.addi %mul3A_169, %add3A_170 : i32
    %scan3A = arith.constant 0 : i32
    %scan3A_172 = arith.constant 0 : i32
    %scan3A_173 = arith.constant 8 : i32
    %scan3A_174 = arith.addi %scan3A_172, %scan3A_173 : i32
    %scan3A_175 = arith.constant 1 : i32
    %scan3A_176 = scf.for %scan3A_216 = %scan3A_172 to %scan3A_174 step %scan3A_175 iter_args(%scan3A_217 = %scan3A) -> (i32)  : i32 {
      %add3A_218 = arith.addi %add3A_171, %scan3A_216 : i32
      %mul3A_219 = arith.constant 5 : i32
      %mul3A_220 = arith.muli %mul3A_219, %add3A_218 : i32
      %broadcast_in_dim3A = vector.broadcast %mul3A_220 : i32 to vector<16xi32>
      %broadcast_in_dim3A_221 = vector.broadcast %add3A_218 : i32 to vector<16xi32>
      %add3A_222 = arith.addi %broadcast_in_dim3A, %select_n3A_18 : vector<16xi32>
      %gather3A = tpu.vector_load_idx %arg14[%add3A_222] : memref<2576xf32, #tpu.memory_space<vmem>>[vector<16xi32>], vector<16xf32>,
      %add3A_223 = arith.addi %broadcast_in_dim3A, %select_n3A_43 : vector<16xi32>
      %gather3A_224 = tpu.vector_load_idx %arg14[%add3A_223] : memref<2576xf32, #tpu.memory_space<vmem>>[vector<16xi32>], vector<16xf32>,
      %add3A_225 = arith.addi %broadcast_in_dim3A, %select_n3A_68 : vector<16xi32>
      %gather3A_226 = tpu.vector_load_idx %arg14[%add3A_225] : memref<2576xf32, #tpu.memory_space<vmem>>[vector<16xi32>], vector<16xf32>,
      %add3A_227 = arith.addi %broadcast_in_dim3A, %select_n3A_93 : vector<16xi32>
      %gather3A_228 = tpu.vector_load_idx %arg14[%add3A_227] : memref<2576xf32, #tpu.memory_space<vmem>>[vector<16xi32>], vector<16xf32>,
      %add3A_229 = arith.addi %broadcast_in_dim3A, %select_n3A_118 : vector<16xi32>
      %gather3A_230 = tpu.vector_load_idx %arg14[%add3A_229] : memref<2576xf32, #tpu.memory_space<vmem>>[vector<16xi32>], vector<16xf32>,
      %gather3A_231 = tpu.vector_load_idx %arg15[%broadcast_in_dim3A_221] : memref<528xi32, #tpu.memory_space<vmem>>[vector<16xi32>], vector<16xi32>,
      %gather3A_232 = tpu.vector_load_idx %arg16[%broadcast_in_dim3A_221] : memref<528xf32, #tpu.memory_space<vmem>>[vector<16xi32>], vector<16xf32>,
      %mul3A_233 = arith.constant 2555 : i32
      %mul3A_234 = arith.muli %scan3A_216, %mul3A_233 : i32
      %mul3A_235 = arith.constant 511 : i32
      %mul3A_236 = arith.muli %scan3A_216, %mul3A_235 : i32
      %scan3A_237 = arith.constant 0 : i32
      %scan3A_238 = arith.constant 0 : i32
      %scan3A_239 = arith.constant 32 : i32
      %scan3A_240 = arith.addi %scan3A_238, %scan3A_239 : i32
      %scan3A_241 = arith.constant 1 : i32
      %scan3A_242 = scf.for %scan3A_252 = %scan3A_238 to %scan3A_240 step %scan3A_241 iter_args(%scan3A_253 = %scan3A_237) -> (i32)  : i32 {
        %mul3A_254 = arith.constant 80 : i32
        %mul3A_255 = arith.muli %scan3A_252, %mul3A_254 : i32
        %add3A_256 = arith.constant 0 : i32
        %add3A_257 = arith.addi %mul3A_255, %add3A_256 : i32
        %add3A_258 = vector.broadcast %add3A_257 : i32 to vector<16xi32>
        %add3A_259 = arith.addi %add3A_258, %iota3A : vector<16xi32>
        %ge3A = arith.cmpi sge, %add3A_259, %broadcast_in_dim3A : vector<16xi32>
        %jit3A_260 = arith.constant 5 : i32
        %jit3A_261 = arith.constant 0 : i32
        %broadcast_in_dim3A_262 = vector.broadcast %jit3A_260 : i32 to vector<16xi32>
        %broadcast_in_dim3A_263 = vector.broadcast %jit3A_261 : i32 to vector<16xi32>
        %select_n3A_264 = arith.select %ge3A, %broadcast_in_dim3A_262, %broadcast_in_dim3A_263 : vector<16xi1>, vector<16xi32>
        %add3A_265 = arith.addi %add3A_259, %select_n3A_264 : vector<16xi32>
        %gather3A_266 = tpu.vector_load_idx %arg14[%add3A_265] : memref<2576xf32, #tpu.memory_space<vmem>>[vector<16xi32>], vector<16xf32>,
        %add3A_267 = arith.addi %mul3A_234, %mul3A_255 : i32
        %add3A_268 = arith.constant 0 : i32
        %add3A_269 = arith.addi %add3A_267, %add3A_268 : i32
        %swap3A = arith.index_cast %add3A_269 : i32 to index
        %swap3A_270 = tpu.vector_load %arg18[%swap3A] {strides = array<i32>} : memref<20448xf32, #tpu.memory_space<vmem>>, vector<16xf32>,
        tpu.vector_store %arg18[%swap3A], %gather3A_266 {strides = array<i32>} : memref<20448xf32, #tpu.memory_space<vmem>>, vector<16xf32>,
        %swap3A_271 = arith.index_cast %add3A_269 : i32 to index
        %swap3A_272 = tpu.vector_load %arg17[%swap3A_271] {strides = array<i32>} : memref<20448xf32, #tpu.memory_space<vmem>>, vector<16xf32>,
        tpu.vector_store %arg17[%swap3A_271], %gather3A {strides = array<i32>} : memref<20448xf32, #tpu.memory_space<vmem>>, vector<16xf32>,
        %min3A = arith.minimumf %gather3A_266, %gather3A : vector<16xf32>
        %max3A = arith.maximumf %gather3A_266, %gather3A : vector<16xf32>
        %select_n3A_273 = arith.select %or3A, %min3A, %max3A : vector<16xi1>, vector<16xf32>
        %select_n3A_274 = arith.select %eq3A_121, %gather3A, %select_n3A_273 : vector<16xi1>, vector<16xf32>
        %swap3A_275 = arith.index_cast %add3A_269 : i32 to index
        %swap3A_276 = tpu.vector_load %arg19[%swap3A_275] {strides = array<i32>} : memref<20448xf32, #tpu.memory_space<vmem>>, vector<16xf32>,
        tpu.vector_store %arg19[%swap3A_275], %select_n3A_274 {strides = array<i32>} : memref<20448xf32, #tpu.memory_space<vmem>>, vector<16xf32>,
        %add3A_277 = arith.constant 16 : i32
        %add3A_278 = arith.addi %mul3A_255, %add3A_277 : i32
        %add3A_279 = vector.broadcast %add3A_278 : i32 to vector<16xi32>
        %add3A_280 = arith.addi %add3A_279, %iota3A : vector<16xi32>
        %ge3A_281 = arith.cmpi sge, %add3A_280, %broadcast_in_dim3A : vector<16xi32>
        %jit3A_282 = arith.constant 5 : i32
        %jit3A_283 = arith.constant 0 : i32
        %broadcast_in_dim3A_284 = vector.broadcast %jit3A_282 : i32 to vector<16xi32>
        %broadcast_in_dim3A_285 = vector.broadcast %jit3A_283 : i32 to vector<16xi32>
        %select_n3A_286 = arith.select %ge3A_281, %broadcast_in_dim3A_284, %broadcast_in_dim3A_285 : vector<16xi1>, vector<16xi32>
        %add3A_287 = arith.addi %add3A_280, %select_n3A_286 : vector<16xi32>
        %gather3A_288 = tpu.vector_load_idx %arg14[%add3A_287] : memref<2576xf32, #tpu.memory_space<vmem>>[vector<16xi32>], vector<16xf32>,
        %add3A_289 = arith.addi %mul3A_234, %mul3A_255 : i32
        %add3A_290 = arith.constant 16 : i32
        %add3A_291 = arith.addi %add3A_289, %add3A_290 : i32
        %swap3A_292 = arith.index_cast %add3A_291 : i32 to index
        %swap3A_293 = tpu.vector_load %arg18[%swap3A_292] {strides = array<i32>} : memref<20448xf32, #tpu.memory_space<vmem>>, vector<16xf32>,
        tpu.vector_store %arg18[%swap3A_292], %gather3A_288 {strides = array<i32>} : memref<20448xf32, #tpu.memory_space<vmem>>, vector<16xf32>,
        %swap3A_294 = arith.index_cast %add3A_291 : i32 to index
        %swap3A_295 = tpu.vector_load %arg17[%swap3A_294] {strides = array<i32>} : memref<20448xf32, #tpu.memory_space<vmem>>, vector<16xf32>,
        tpu.vector_store %arg17[%swap3A_294], %gather3A_224 {strides = array<i32>} : memref<20448xf32, #tpu.memory_space<vmem>>, vector<16xf32>,
        %min3A_296 = arith.minimumf %gather3A_288, %gather3A_224 : vector<16xf32>
        %max3A_297 = arith.maximumf %gather3A_288, %gather3A_224 : vector<16xf32>
        %select_n3A_298 = arith.select %or3A_146, %min3A_296, %max3A_297 : vector<16xi1>, vector<16xf32>
        %select_n3A_299 = arith.select %eq3A_124, %gather3A_224, %select_n3A_298 : vector<16xi1>, vector<16xf32>
        %swap3A_300 = arith.index_cast %add3A_291 : i32 to index
        %swap3A_301 = tpu.vector_load %arg19[%swap3A_300] {strides = array<i32>} : memref<20448xf32, #tpu.memory_space<vmem>>, vector<16xf32>,
        tpu.vector_store %arg19[%swap3A_300], %select_n3A_299 {strides = array<i32>} : memref<20448xf32, #tpu.memory_space<vmem>>, vector<16xf32>,
        %add3A_302 = arith.constant 32 : i32
        %add3A_303 = arith.addi %mul3A_255, %add3A_302 : i32
        %add3A_304 = vector.broadcast %add3A_303 : i32 to vector<16xi32>
        %add3A_305 = arith.addi %add3A_304, %iota3A : vector<16xi32>
        %ge3A_306 = arith.cmpi sge, %add3A_305, %broadcast_in_dim3A : vector<16xi32>
        %jit3A_307 = arith.constant 5 : i32
        %jit3A_308 = arith.constant 0 : i32
        %broadcast_in_dim3A_309 = vector.broadcast %jit3A_307 : i32 to vector<16xi32>
        %broadcast_in_dim3A_310 = vector.broadcast %jit3A_308 : i32 to vector<16xi32>
        %select_n3A_311 = arith.select %ge3A_306, %broadcast_in_dim3A_309, %broadcast_in_dim3A_310 : vector<16xi1>, vector<16xi32>
        %add3A_312 = arith.addi %add3A_305, %select_n3A_311 : vector<16xi32>
        %gather3A_313 = tpu.vector_load_idx %arg14[%add3A_312] : memref<2576xf32, #tpu.memory_space<vmem>>[vector<16xi32>], vector<16xf32>,
        %add3A_314 = arith.addi %mul3A_234, %mul3A_255 : i32
        %add3A_315 = arith.constant 32 : i32
        %add3A_316 = arith.addi %add3A_314, %add3A_315 : i32
        %swap3A_317 = arith.index_cast %add3A_316 : i32 to index
        %swap3A_318 = tpu.vector_load %arg18[%swap3A_317] {strides = array<i32>} : memref<20448xf32, #tpu.memory_space<vmem>>, vector<16xf32>,
        tpu.vector_store %arg18[%swap3A_317], %gather3A_313 {strides = array<i32>} : memref<20448xf32, #tpu.memory_space<vmem>>, vector<16xf32>,
        %swap3A_319 = arith.index_cast %add3A_316 : i32 to index
        %swap3A_320 = tpu.vector_load %arg17[%swap3A_319] {strides = array<i32>} : memref<20448xf32, #tpu.memory_space<vmem>>, vector<16xf32>,
        tpu.vector_store %arg17[%swap3A_319], %gather3A_226 {strides = array<i32>} : memref<20448xf32, #tpu.memory_space<vmem>>, vector<16xf32>,
        %min3A_321 = arith.minimumf %gather3A_313, %gather3A_226 : vector<16xf32>
        %max3A_322 = arith.maximumf %gather3A_313, %gather3A_226 : vector<16xf32>
        %select_n3A_323 = arith.select %or3A_153, %min3A_321, %max3A_322 : vector<16xi1>, vector<16xf32>
        %select_n3A_324 = arith.select %eq3A_127, %gather3A_226, %select_n3A_323 : vector<16xi1>, vector<16xf32>
        %swap3A_325 = arith.index_cast %add3A_316 : i32 to index
        %swap3A_326 = tpu.vector_load %arg19[%swap3A_325] {strides = array<i32>} : memref<20448xf32, #tpu.memory_space<vmem>>, vector<16xf32>,
        tpu.vector_store %arg19[%swap3A_325], %select_n3A_324 {strides = array<i32>} : memref<20448xf32, #tpu.memory_space<vmem>>, vector<16xf32>,
        %add3A_327 = arith.constant 48 : i32
        %add3A_328 = arith.addi %mul3A_255, %add3A_327 : i32
        %add3A_329 = vector.broadcast %add3A_328 : i32 to vector<16xi32>
        %add3A_330 = arith.addi %add3A_329, %iota3A : vector<16xi32>
        %ge3A_331 = arith.cmpi sge, %add3A_330, %broadcast_in_dim3A : vector<16xi32>
        %jit3A_332 = arith.constant 5 : i32
        %jit3A_333 = arith.constant 0 : i32
        %broadcast_in_dim3A_334 = vector.broadcast %jit3A_332 : i32 to vector<16xi32>
        %broadcast_in_dim3A_335 = vector.broadcast %jit3A_333 : i32 to vector<16xi32>
        %select_n3A_336 = arith.select %ge3A_331, %broadcast_in_dim3A_334, %broadcast_in_dim3A_335 : vector<16xi1>, vector<16xi32>
        %add3A_337 = arith.addi %add3A_330, %select_n3A_336 : vector<16xi32>
        %gather3A_338 = tpu.vector_load_idx %arg14[%add3A_337] : memref<2576xf32, #tpu.memory_space<vmem>>[vector<16xi32>], vector<16xf32>,
        %add3A_339 = arith.addi %mul3A_234, %mul3A_255 : i32
        %add3A_340 = arith.constant 48 : i32
        %add3A_341 = arith.addi %add3A_339, %add3A_340 : i32
        %swap3A_342 = arith.index_cast %add3A_341 : i32 to index
        %swap3A_343 = tpu.vector_load %arg18[%swap3A_342] {strides = array<i32>} : memref<20448xf32, #tpu.memory_space<vmem>>, vector<16xf32>,
        tpu.vector_store %arg18[%swap3A_342], %gather3A_338 {strides = array<i32>} : memref<20448xf32, #tpu.memory_space<vmem>>, vector<16xf32>,
        %swap3A_344 = arith.index_cast %add3A_341 : i32 to index
        %swap3A_345 = tpu.vector_load %arg17[%swap3A_344] {strides = array<i32>} : memref<20448xf32, #tpu.memory_space<vmem>>, vector<16xf32>,
        tpu.vector_store %arg17[%swap3A_344], %gather3A_228 {strides = array<i32>} : memref<20448xf32, #tpu.memory_space<vmem>>, vector<16xf32>,
        %min3A_346 = arith.minimumf %gather3A_338, %gather3A_228 : vector<16xf32>
        %max3A_347 = arith.maximumf %gather3A_338, %gather3A_228 : vector<16xf32>
        %select_n3A_348 = arith.select %or3A_160, %min3A_346, %max3A_347 : vector<16xi1>, vector<16xf32>
        %select_n3A_349 = arith.select %eq3A_130, %gather3A_228, %select_n3A_348 : vector<16xi1>, vector<16xf32>
        %swap3A_350 = arith.index_cast %add3A_341 : i32 to index
        %swap3A_351 = tpu.vector_load %arg19[%swap3A_350] {strides = array<i32>} : memref<20448xf32, #tpu.memory_space<vmem>>, vector<16xf32>,
        tpu.vector_store %arg19[%swap3A_350], %select_n3A_349 {strides = array<i32>} : memref<20448xf32, #tpu.memory_space<vmem>>, vector<16xf32>,
        %add3A_352 = arith.constant 64 : i32
        %add3A_353 = arith.addi %mul3A_255, %add3A_352 : i32
        %add3A_354 = vector.broadcast %add3A_353 : i32 to vector<16xi32>
        %add3A_355 = arith.addi %add3A_354, %iota3A : vector<16xi32>
        %ge3A_356 = arith.cmpi sge, %add3A_355, %broadcast_in_dim3A : vector<16xi32>
        %jit3A_357 = arith.constant 5 : i32
        %jit3A_358 = arith.constant 0 : i32
        %broadcast_in_dim3A_359 = vector.broadcast %jit3A_357 : i32 to vector<16xi32>
        %broadcast_in_dim3A_360 = vector.broadcast %jit3A_358 : i32 to vector<16xi32>
        %select_n3A_361 = arith.select %ge3A_356, %broadcast_in_dim3A_359, %broadcast_in_dim3A_360 : vector<16xi1>, vector<16xi32>
        %add3A_362 = arith.addi %add3A_355, %select_n3A_361 : vector<16xi32>
        %gather3A_363 = tpu.vector_load_idx %arg14[%add3A_362] : memref<2576xf32, #tpu.memory_space<vmem>>[vector<16xi32>], vector<16xf32>,
        %add3A_364 = arith.addi %mul3A_234, %mul3A_255 : i32
        %add3A_365 = arith.constant 64 : i32
        %add3A_366 = arith.addi %add3A_364, %add3A_365 : i32
        %swap3A_367 = arith.index_cast %add3A_366 : i32 to index
        %swap3A_368 = tpu.vector_load %arg18[%swap3A_367] {strides = array<i32>} : memref<20448xf32, #tpu.memory_space<vmem>>, vector<16xf32>,
        tpu.vector_store %arg18[%swap3A_367], %gather3A_363 {strides = array<i32>} : memref<20448xf32, #tpu.memory_space<vmem>>, vector<16xf32>,
        %swap3A_369 = arith.index_cast %add3A_366 : i32 to index
        %swap3A_370 = tpu.vector_load %arg17[%swap3A_369] {strides = array<i32>} : memref<20448xf32, #tpu.memory_space<vmem>>, vector<16xf32>,
        tpu.vector_store %arg17[%swap3A_369], %gather3A_230 {strides = array<i32>} : memref<20448xf32, #tpu.memory_space<vmem>>, vector<16xf32>,
        %min3A_371 = arith.minimumf %gather3A_363, %gather3A_230 : vector<16xf32>
        %max3A_372 = arith.maximumf %gather3A_363, %gather3A_230 : vector<16xf32>
        %select_n3A_373 = arith.select %or3A_167, %min3A_371, %max3A_372 : vector<16xi1>, vector<16xf32>
        %select_n3A_374 = arith.select %eq3A_133, %gather3A_230, %select_n3A_373 : vector<16xi1>, vector<16xf32>
        %swap3A_375 = arith.index_cast %add3A_366 : i32 to index
        %swap3A_376 = tpu.vector_load %arg19[%swap3A_375] {strides = array<i32>} : memref<20448xf32, #tpu.memory_space<vmem>>, vector<16xf32>,
        tpu.vector_store %arg19[%swap3A_375], %select_n3A_374 {strides = array<i32>} : memref<20448xf32, #tpu.memory_space<vmem>>, vector<16xf32>,
        %scan3A_377 = arith.constant 0 : i32
        scf.yield %scan3A_377 : i32
      }
      %scan3A_243 = arith.constant 32 : i32
      %scan3A_244 = arith.constant 0 : i32
      %scan3A_245 = arith.constant 0 : i32
      %scan3A_246 = arith.constant 32 : i32
      %scan3A_247 = arith.addi %scan3A_245, %scan3A_246 : i32
      %scan3A_248 = arith.constant 1 : i32
      %scan3A_249 = scf.for %scan3A_252 = %scan3A_245 to %scan3A_247 step %scan3A_248 iter_args(%scan3A_253 = %scan3A_244) -> (i32)  : i32 {
        %mul3A_254 = arith.constant 16 : i32
        %mul3A_255 = arith.muli %scan3A_252, %mul3A_254 : i32
        %add3A_256 = vector.broadcast %mul3A_255 : i32 to vector<16xi32>
        %add3A_257 = arith.addi %add3A_256, %iota3A : vector<16xi32>
        %ge3A = arith.cmpi sge, %add3A_257, %broadcast_in_dim3A_221 : vector<16xi32>
        %jit3A_258 = arith.constant 1 : i32
        %jit3A_259 = arith.constant 0 : i32
        %broadcast_in_dim3A_260 = vector.broadcast %jit3A_258 : i32 to vector<16xi32>
        %broadcast_in_dim3A_261 = vector.broadcast %jit3A_259 : i32 to vector<16xi32>
        %select_n3A_262 = arith.select %ge3A, %broadcast_in_dim3A_260, %broadcast_in_dim3A_261 : vector<16xi1>, vector<16xi32>
        %add3A_263 = arith.addi %add3A_257, %select_n3A_262 : vector<16xi32>
        %mul3A_264 = arith.constant 16 : i32
        %mul3A_265 = arith.muli %scan3A_252, %mul3A_264 : i32
        %add3A_266 = arith.addi %mul3A_236, %mul3A_265 : i32
        %gather3A_267 = tpu.vector_load_idx %arg15[%add3A_263] : memref<528xi32, #tpu.memory_space<vmem>>[vector<16xi32>], vector<16xi32>,
        %swap3A = arith.index_cast %add3A_266 : i32 to index
        %swap3A_268 = tpu.vector_load %arg21[%swap3A] {strides = array<i32>} : memref<4096xi32, #tpu.memory_space<vmem>>, vector<16xi32>,
        tpu.vector_store %arg21[%swap3A], %gather3A_267 {strides = array<i32>} : memref<4096xi32, #tpu.memory_space<vmem>>, vector<16xi32>,
        %gather3A_269 = tpu.vector_load_idx %arg16[%add3A_263] : memref<528xf32, #tpu.memory_space<vmem>>[vector<16xi32>], vector<16xf32>,
        %swap3A_270 = arith.index_cast %add3A_266 : i32 to index
        %swap3A_271 = tpu.vector_load %arg23[%swap3A_270] {strides = array<i32>} : memref<4096xf32, #tpu.memory_space<vmem>>, vector<16xf32>,
        tpu.vector_store %arg23[%swap3A_270], %gather3A_269 {strides = array<i32>} : memref<4096xf32, #tpu.memory_space<vmem>>, vector<16xf32>,
        %swap3A_272 = arith.index_cast %add3A_266 : i32 to index
        %swap3A_273 = tpu.vector_load %arg25[%swap3A_272] {strides = array<i32>} : memref<4096xi32, #tpu.memory_space<vmem>>, vector<16xi32>,
        tpu.vector_store %arg25[%swap3A_272], %add3A_263 {strides = array<i32>} : memref<4096xi32, #tpu.memory_space<vmem>>, vector<16xi32>,
        %swap3A_274 = arith.index_cast %add3A_266 : i32 to index
        %swap3A_275 = tpu.vector_load %arg24[%swap3A_274] {strides = array<i32>} : memref<4096xi32, #tpu.memory_space<vmem>>, vector<16xi32>,
        tpu.vector_store %arg24[%swap3A_274], %broadcast_in_dim3A_221 {strides = array<i32>} : memref<4096xi32, #tpu.memory_space<vmem>>, vector<16xi32>,
        %swap3A_276 = arith.index_cast %add3A_266 : i32 to index
        %swap3A_277 = tpu.vector_load %arg20[%swap3A_276] {strides = array<i32>} : memref<4096xi32, #tpu.memory_space<vmem>>, vector<16xi32>,
        tpu.vector_store %arg20[%swap3A_276], %gather3A_231 {strides = array<i32>} : memref<4096xi32, #tpu.memory_space<vmem>>, vector<16xi32>,
        %swap3A_278 = arith.index_cast %add3A_266 : i32 to index
        %swap3A_279 = tpu.vector_load %arg22[%swap3A_278] {strides = array<i32>} : memref<4096xf32, #tpu.memory_space<vmem>>, vector<16xf32>,
        tpu.vector_store %arg22[%swap3A_278], %gather3A_232 {strides = array<i32>} : memref<4096xf32, #tpu.memory_space<vmem>>, vector<16xf32>,
        %scan3A_280 = arith.constant 0 : i32
        scf.yield %scan3A_280 : i32
      }
      %scan3A_250 = arith.constant 32 : i32
      %scan3A_251 = arith.constant 0 : i32
      scf.yield %scan3A_251 : i32
    }
    %scan3A_177 = arith.constant 8 : i32
    %mul3A_178 = arith.constant 2 : i32
    %mul3A_179 = arith.muli %add3A, %mul3A_178 : i32
    %add3A_180 = arith.constant 0 : i32
    %add3A_181 = arith.addi %mul3A_179, %add3A_180 : i32
    %mul3A_182 = arith.constant 20440 : i32
    %mul3A_183 = arith.muli %add3A_181, %mul3A_182 : i32
    %multiple_of3A = tpu.assume_multiple %mul3A_183, 8 : i32
    %mul3A_184 = arith.constant 2 : i32
    %mul3A_185 = arith.muli %add3A, %mul3A_184 : i32
    %add3A_186 = arith.constant 0 : i32
    %add3A_187 = arith.addi %mul3A_185, %add3A_186 : i32
    %mul3A_188 = arith.constant 4088 : i32
    %mul3A_189 = arith.muli %add3A_187, %mul3A_188 : i32
    %multiple_of3A_190 = tpu.assume_multiple %mul3A_189, 8 : i32
    "tpu.region"() ({
      %run_scoped3A = tpu.sem_alloc : memref<!tpu.dma_semaphore, #tpu.memory_space<semaphore_mem>>
      %dma_start3A = arith.constant 0 : i32
      %dma_start3A_216 = tpu.memref_slice %arg17[%dma_start3A] : memref<20448xf32, #tpu.memory_space<vmem>> -> memref<20440xf32, #tpu.memory_space<vmem>>
      %dma_start3A_217 = tpu.memref_slice %arg5[%multiple_of3A] : memref<1308160xf32, #tpu.memory_space<hbm>> -> memref<20440xf32, #tpu.memory_space<hbm>>
      %dma_start3A_218 = tpu.memref_slice %arg5[%multiple_of3A] : memref<1308160xf32, #tpu.memory_space<hbm>> -> memref<20440xf32, #tpu.memory_space<hbm>>
      %dma_start3A_219 = arith.constant 0 : i32
      %dma_start3A_220 = tpu.memref_slice %arg17[%dma_start3A_219] : memref<20448xf32, #tpu.memory_space<vmem>> -> memref<20440xf32, #tpu.memory_space<vmem>>
      tpu.enqueue_dma source(%dma_start3A_220 : memref<20440xf32, #tpu.memory_space<vmem>>) target(%dma_start3A_218 : memref<20440xf32, #tpu.memory_space<hbm>>) target_semaphore(%run_scoped3A : memref<!tpu.dma_semaphore, #tpu.memory_space<semaphore_mem>>)
      %dma_wait3A = arith.constant 0 : i32
      %dma_wait3A_221 = tpu.memref_slice %arg17[%dma_wait3A] : memref<20448xf32, #tpu.memory_space<vmem>> -> memref<20440xf32, #tpu.memory_space<vmem>>
      %dma_wait3A_222 = tpu.memref_slice %arg5[%multiple_of3A] : memref<1308160xf32, #tpu.memory_space<hbm>> -> memref<20440xf32, #tpu.memory_space<hbm>>
      %dma_wait3A_223 = tpu.memref_slice %arg5[%multiple_of3A] : memref<1308160xf32, #tpu.memory_space<hbm>> -> memref<20440xf32, #tpu.memory_space<hbm>>
      %dma_wait3A_224 = arith.constant 0 : i32
      %dma_wait3A_225 = tpu.memref_slice %arg17[%dma_wait3A_224] : memref<20448xf32, #tpu.memory_space<vmem>> -> memref<20440xf32, #tpu.memory_space<vmem>>
      tpu.wait_dma2 semaphore(%run_scoped3A : memref<!tpu.dma_semaphore, #tpu.memory_space<semaphore_mem>>) src(%dma_wait3A_225 : memref<20440xf32, #tpu.memory_space<vmem>>) dst(%dma_wait3A_223 : memref<20440xf32, #tpu.memory_space<hbm>>)
      tpu.yield
    }) : () -> ()
    "tpu.region"() ({
      %run_scoped3A = tpu.sem_alloc : memref<!tpu.dma_semaphore, #tpu.memory_space<semaphore_mem>>
      %dma_start3A = arith.constant 0 : i32
      %dma_start3A_216 = tpu.memref_slice %arg18[%dma_start3A] : memref<20448xf32, #tpu.memory_space<vmem>> -> memref<20440xf32, #tpu.memory_space<vmem>>
      %dma_start3A_217 = tpu.memref_slice %arg6[%multiple_of3A] : memref<1308160xf32, #tpu.memory_space<hbm>> -> memref<20440xf32, #tpu.memory_space<hbm>>
      %dma_start3A_218 = tpu.memref_slice %arg6[%multiple_of3A] : memref<1308160xf32, #tpu.memory_space<hbm>> -> memref<20440xf32, #tpu.memory_space<hbm>>
      %dma_start3A_219 = arith.constant 0 : i32
      %dma_start3A_220 = tpu.memref_slice %arg18[%dma_start3A_219] : memref<20448xf32, #tpu.memory_space<vmem>> -> memref<20440xf32, #tpu.memory_space<vmem>>
      tpu.enqueue_dma source(%dma_start3A_220 : memref<20440xf32, #tpu.memory_space<vmem>>) target(%dma_start3A_218 : memref<20440xf32, #tpu.memory_space<hbm>>) target_semaphore(%run_scoped3A : memref<!tpu.dma_semaphore, #tpu.memory_space<semaphore_mem>>)
      %dma_wait3A = arith.constant 0 : i32
      %dma_wait3A_221 = tpu.memref_slice %arg18[%dma_wait3A] : memref<20448xf32, #tpu.memory_space<vmem>> -> memref<20440xf32, #tpu.memory_space<vmem>>
      %dma_wait3A_222 = tpu.memref_slice %arg6[%multiple_of3A] : memref<1308160xf32, #tpu.memory_space<hbm>> -> memref<20440xf32, #tpu.memory_space<hbm>>
      %dma_wait3A_223 = tpu.memref_slice %arg6[%multiple_of3A] : memref<1308160xf32, #tpu.memory_space<hbm>> -> memref<20440xf32, #tpu.memory_space<hbm>>
      %dma_wait3A_224 = arith.constant 0 : i32
      %dma_wait3A_225 = tpu.memref_slice %arg18[%dma_wait3A_224] : memref<20448xf32, #tpu.memory_space<vmem>> -> memref<20440xf32, #tpu.memory_space<vmem>>
      tpu.wait_dma2 semaphore(%run_scoped3A : memref<!tpu.dma_semaphore, #tpu.memory_space<semaphore_mem>>) src(%dma_wait3A_225 : memref<20440xf32, #tpu.memory_space<vmem>>) dst(%dma_wait3A_223 : memref<20440xf32, #tpu.memory_space<hbm>>)
      tpu.yield
    }) : () -> ()
    "tpu.region"() ({
      %run_scoped3A = tpu.sem_alloc : memref<!tpu.dma_semaphore, #tpu.memory_space<semaphore_mem>>
      %dma_start3A = arith.constant 0 : i32
      %dma_start3A_216 = tpu.memref_slice %arg19[%dma_start3A] : memref<20448xf32, #tpu.memory_space<vmem>> -> memref<20440xf32, #tpu.memory_space<vmem>>
      %dma_start3A_217 = tpu.memref_slice %arg7[%multiple_of3A] : memref<1308160xf32, #tpu.memory_space<hbm>> -> memref<20440xf32, #tpu.memory_space<hbm>>
      %dma_start3A_218 = tpu.memref_slice %arg7[%multiple_of3A] : memref<1308160xf32, #tpu.memory_space<hbm>> -> memref<20440xf32, #tpu.memory_space<hbm>>
      %dma_start3A_219 = arith.constant 0 : i32
      %dma_start3A_220 = tpu.memref_slice %arg19[%dma_start3A_219] : memref<20448xf32, #tpu.memory_space<vmem>> -> memref<20440xf32, #tpu.memory_space<vmem>>
      tpu.enqueue_dma source(%dma_start3A_220 : memref<20440xf32, #tpu.memory_space<vmem>>) target(%dma_start3A_218 : memref<20440xf32, #tpu.memory_space<hbm>>) target_semaphore(%run_scoped3A : memref<!tpu.dma_semaphore, #tpu.memory_space<semaphore_mem>>)
      %dma_wait3A = arith.constant 0 : i32
      %dma_wait3A_221 = tpu.memref_slice %arg19[%dma_wait3A] : memref<20448xf32, #tpu.memory_space<vmem>> -> memref<20440xf32, #tpu.memory_space<vmem>>
      %dma_wait3A_222 = tpu.memref_slice %arg7[%multiple_of3A] : memref<1308160xf32, #tpu.memory_space<hbm>> -> memref<20440xf32, #tpu.memory_space<hbm>>
      %dma_wait3A_223 = tpu.memref_slice %arg7[%multiple_of3A] : memref<1308160xf32, #tpu.memory_space<hbm>> -> memref<20440xf32, #tpu.memory_space<hbm>>
      %dma_wait3A_224 = arith.constant 0 : i32
      %dma_wait3A_225 = tpu.memref_slice %arg19[%dma_wait3A_224] : memref<20448xf32, #tpu.memory_space<vmem>> -> memref<20440xf32, #tpu.memory_space<vmem>>
      tpu.wait_dma2 semaphore(%run_scoped3A : memref<!tpu.dma_semaphore, #tpu.memory_space<semaphore_mem>>) src(%dma_wait3A_225 : memref<20440xf32, #tpu.memory_space<vmem>>) dst(%dma_wait3A_223 : memref<20440xf32, #tpu.memory_space<hbm>>)
      tpu.yield
    }) : () -> ()
    "tpu.region"() ({
      %run_scoped3A = tpu.sem_alloc : memref<!tpu.dma_semaphore, #tpu.memory_space<semaphore_mem>>
      %dma_start3A = arith.constant 0 : i32
      %dma_start3A_216 = tpu.memref_slice %arg20[%dma_start3A] : memref<4096xi32, #tpu.memory_space<vmem>> -> memref<4088xi32, #tpu.memory_space<vmem>>
      %dma_start3A_217 = tpu.memref_slice %arg8[%multiple_of3A_190] : memref<261632xi32, #tpu.memory_space<hbm>> -> memref<4088xi32, #tpu.memory_space<hbm>>
      %dma_start3A_218 = tpu.memref_slice %arg8[%multiple_of3A_190] : memref<261632xi32, #tpu.memory_space<hbm>> -> memref<4088xi32, #tpu.memory_space<hbm>>
      %dma_start3A_219 = arith.constant 0 : i32
      %dma_start3A_220 = tpu.memref_slice %arg20[%dma_start3A_219] : memref<4096xi32, #tpu.memory_space<vmem>> -> memref<4088xi32, #tpu.memory_space<vmem>>
      tpu.enqueue_dma source(%dma_start3A_220 : memref<4088xi32, #tpu.memory_space<vmem>>) target(%dma_start3A_218 : memref<4088xi32, #tpu.memory_space<hbm>>) target_semaphore(%run_scoped3A : memref<!tpu.dma_semaphore, #tpu.memory_space<semaphore_mem>>)
      %dma_wait3A = arith.constant 0 : i32
      %dma_wait3A_221 = tpu.memref_slice %arg20[%dma_wait3A] : memref<4096xi32, #tpu.memory_space<vmem>> -> memref<4088xi32, #tpu.memory_space<vmem>>
      %dma_wait3A_222 = tpu.memref_slice %arg8[%multiple_of3A_190] : memref<261632xi32, #tpu.memory_space<hbm>> -> memref<4088xi32, #tpu.memory_space<hbm>>
      %dma_wait3A_223 = tpu.memref_slice %arg8[%multiple_of3A_190] : memref<261632xi32, #tpu.memory_space<hbm>> -> memref<4088xi32, #tpu.memory_space<hbm>>
      %dma_wait3A_224 = arith.constant 0 : i32
      %dma_wait3A_225 = tpu.memref_slice %arg20[%dma_wait3A_224] : memref<4096xi32, #tpu.memory_space<vmem>> -> memref<4088xi32, #tpu.memory_space<vmem>>
      tpu.wait_dma2 semaphore(%run_scoped3A : memref<!tpu.dma_semaphore, #tpu.memory_space<semaphore_mem>>) src(%dma_wait3A_225 : memref<4088xi32, #tpu.memory_space<vmem>>) dst(%dma_wait3A_223 : memref<4088xi32, #tpu.memory_space<hbm>>)
      tpu.yield
    }) : () -> ()
    "tpu.region"() ({
      %run_scoped3A = tpu.sem_alloc : memref<!tpu.dma_semaphore, #tpu.memory_space<semaphore_mem>>
      %dma_start3A = arith.constant 0 : i32
      %dma_start3A_216 = tpu.memref_slice %arg21[%dma_start3A] : memref<4096xi32, #tpu.memory_space<vmem>> -> memref<4088xi32, #tpu.memory_space<vmem>>
      %dma_start3A_217 = tpu.memref_slice %arg9[%multiple_of3A_190] : memref<261632xi32, #tpu.memory_space<hbm>> -> memref<4088xi32, #tpu.memory_space<hbm>>
      %dma_start3A_218 = tpu.memref_slice %arg9[%multiple_of3A_190] : memref<261632xi32, #tpu.memory_space<hbm>> -> memref<4088xi32, #tpu.memory_space<hbm>>
      %dma_start3A_219 = arith.constant 0 : i32
      %dma_start3A_220 = tpu.memref_slice %arg21[%dma_start3A_219] : memref<4096xi32, #tpu.memory_space<vmem>> -> memref<4088xi32, #tpu.memory_space<vmem>>
      tpu.enqueue_dma source(%dma_start3A_220 : memref<4088xi32, #tpu.memory_space<vmem>>) target(%dma_start3A_218 : memref<4088xi32, #tpu.memory_space<hbm>>) target_semaphore(%run_scoped3A : memref<!tpu.dma_semaphore, #tpu.memory_space<semaphore_mem>>)
      %dma_wait3A = arith.constant 0 : i32
      %dma_wait3A_221 = tpu.memref_slice %arg21[%dma_wait3A] : memref<4096xi32, #tpu.memory_space<vmem>> -> memref<4088xi32, #tpu.memory_space<vmem>>
      %dma_wait3A_222 = tpu.memref_slice %arg9[%multiple_of3A_190] : memref<261632xi32, #tpu.memory_space<hbm>> -> memref<4088xi32, #tpu.memory_space<hbm>>
      %dma_wait3A_223 = tpu.memref_slice %arg9[%multiple_of3A_190] : memref<261632xi32, #tpu.memory_space<hbm>> -> memref<4088xi32, #tpu.memory_space<hbm>>
      %dma_wait3A_224 = arith.constant 0 : i32
      %dma_wait3A_225 = tpu.memref_slice %arg21[%dma_wait3A_224] : memref<4096xi32, #tpu.memory_space<vmem>> -> memref<4088xi32, #tpu.memory_space<vmem>>
      tpu.wait_dma2 semaphore(%run_scoped3A : memref<!tpu.dma_semaphore, #tpu.memory_space<semaphore_mem>>) src(%dma_wait3A_225 : memref<4088xi32, #tpu.memory_space<vmem>>) dst(%dma_wait3A_223 : memref<4088xi32, #tpu.memory_space<hbm>>)
      tpu.yield
    }) : () -> ()
    "tpu.region"() ({
      %run_scoped3A = tpu.sem_alloc : memref<!tpu.dma_semaphore, #tpu.memory_space<semaphore_mem>>
      %dma_start3A = arith.constant 0 : i32
      %dma_start3A_216 = tpu.memref_slice %arg22[%dma_start3A] : memref<4096xf32, #tpu.memory_space<vmem>> -> memref<4088xf32, #tpu.memory_space<vmem>>
      %dma_start3A_217 = tpu.memref_slice %arg10[%multiple_of3A_190] : memref<261632xf32, #tpu.memory_space<hbm>> -> memref<4088xf32, #tpu.memory_space<hbm>>
      %dma_start3A_218 = tpu.memref_slice %arg10[%multiple_of3A_190] : memref<261632xf32, #tpu.memory_space<hbm>> -> memref<4088xf32, #tpu.memory_space<hbm>>
      %dma_start3A_219 = arith.constant 0 : i32
      %dma_start3A_220 = tpu.memref_slice %arg22[%dma_start3A_219] : memref<4096xf32, #tpu.memory_space<vmem>> -> memref<4088xf32, #tpu.memory_space<vmem>>
      tpu.enqueue_dma source(%dma_start3A_220 : memref<4088xf32, #tpu.memory_space<vmem>>) target(%dma_start3A_218 : memref<4088xf32, #tpu.memory_space<hbm>>) target_semaphore(%run_scoped3A : memref<!tpu.dma_semaphore, #tpu.memory_space<semaphore_mem>>)
      %dma_wait3A = arith.constant 0 : i32
      %dma_wait3A_221 = tpu.memref_slice %arg22[%dma_wait3A] : memref<4096xf32, #tpu.memory_space<vmem>> -> memref<4088xf32, #tpu.memory_space<vmem>>
      %dma_wait3A_222 = tpu.memref_slice %arg10[%multiple_of3A_190] : memref<261632xf32, #tpu.memory_space<hbm>> -> memref<4088xf32, #tpu.memory_space<hbm>>
      %dma_wait3A_223 = tpu.memref_slice %arg10[%multiple_of3A_190] : memref<261632xf32, #tpu.memory_space<hbm>> -> memref<4088xf32, #tpu.memory_space<hbm>>
      %dma_wait3A_224 = arith.constant 0 : i32
      %dma_wait3A_225 = tpu.memref_slice %arg22[%dma_wait3A_224] : memref<4096xf32, #tpu.memory_space<vmem>> -> memref<4088xf32, #tpu.memory_space<vmem>>
      tpu.wait_dma2 semaphore(%run_scoped3A : memref<!tpu.dma_semaphore, #tpu.memory_space<semaphore_mem>>) src(%dma_wait3A_225 : memref<4088xf32, #tpu.memory_space<vmem>>) dst(%dma_wait3A_223 : memref<4088xf32, #tpu.memory_space<hbm>>)
      tpu.yield
    }) : () -> ()
    "tpu.region"() ({
      %run_scoped3A = tpu.sem_alloc : memref<!tpu.dma_semaphore, #tpu.memory_space<semaphore_mem>>
      %dma_start3A = arith.constant 0 : i32
      %dma_start3A_216 = tpu.memref_slice %arg23[%dma_start3A] : memref<4096xf32, #tpu.memory_space<vmem>> -> memref<4088xf32, #tpu.memory_space<vmem>>
      %dma_start3A_217 = tpu.memref_slice %arg11[%multiple_of3A_190] : memref<261632xf32, #tpu.memory_space<hbm>> -> memref<4088xf32, #tpu.memory_space<hbm>>
      %dma_start3A_218 = tpu.memref_slice %arg11[%multiple_of3A_190] : memref<261632xf32, #tpu.memory_space<hbm>> -> memref<4088xf32, #tpu.memory_space<hbm>>
      %dma_start3A_219 = arith.constant 0 : i32
      %dma_start3A_220 = tpu.memref_slice %arg23[%dma_start3A_219] : memref<4096xf32, #tpu.memory_space<vmem>> -> memref<4088xf32, #tpu.memory_space<vmem>>
      tpu.enqueue_dma source(%dma_start3A_220 : memref<4088xf32, #tpu.memory_space<vmem>>) target(%dma_start3A_218 : memref<4088xf32, #tpu.memory_space<hbm>>) target_semaphore(%run_scoped3A : memref<!tpu.dma_semaphore, #tpu.memory_space<semaphore_mem>>)
      %dma_wait3A = arith.constant 0 : i32
      %dma_wait3A_221 = tpu.memref_slice %arg23[%dma_wait3A] : memref<4096xf32, #tpu.memory_space<vmem>> -> memref<4088xf32, #tpu.memory_space<vmem>>
      %dma_wait3A_222 = tpu.memref_slice %arg11[%multiple_of3A_190] : memref<261632xf32, #tpu.memory_space<hbm>> -> memref<4088xf32, #tpu.memory_space<hbm>>
      %dma_wait3A_223 = tpu.memref_slice %arg11[%multiple_of3A_190] : memref<261632xf32, #tpu.memory_space<hbm>> -> memref<4088xf32, #tpu.memory_space<hbm>>
      %dma_wait3A_224 = arith.constant 0 : i32
      %dma_wait3A_225 = tpu.memref_slice %arg23[%dma_wait3A_224] : memref<4096xf32, #tpu.memory_space<vmem>> -> memref<4088xf32, #tpu.memory_space<vmem>>
      tpu.wait_dma2 semaphore(%run_scoped3A : memref<!tpu.dma_semaphore, #tpu.memory_space<semaphore_mem>>) src(%dma_wait3A_225 : memref<4088xf32, #tpu.memory_space<vmem>>) dst(%dma_wait3A_223 : memref<4088xf32, #tpu.memory_space<hbm>>)
      tpu.yield
    }) : () -> ()
    "tpu.region"() ({
      %run_scoped3A = tpu.sem_alloc : memref<!tpu.dma_semaphore, #tpu.memory_space<semaphore_mem>>
      %dma_start3A = arith.constant 0 : i32
      %dma_start3A_216 = tpu.memref_slice %arg24[%dma_start3A] : memref<4096xi32, #tpu.memory_space<vmem>> -> memref<4088xi32, #tpu.memory_space<vmem>>
      %dma_start3A_217 = tpu.memref_slice %arg12[%multiple_of3A_190] : memref<261632xi32, #tpu.memory_space<hbm>> -> memref<4088xi32, #tpu.memory_space<hbm>>
      %dma_start3A_218 = tpu.memref_slice %arg12[%multiple_of3A_190] : memref<261632xi32, #tpu.memory_space<hbm>> -> memref<4088xi32, #tpu.memory_space<hbm>>
      %dma_start3A_219 = arith.constant 0 : i32
      %dma_start3A_220 = tpu.memref_slice %arg24[%dma_start3A_219] : memref<4096xi32, #tpu.memory_space<vmem>> -> memref<4088xi32, #tpu.memory_space<vmem>>
      tpu.enqueue_dma source(%dma_start3A_220 : memref<4088xi32, #tpu.memory_space<vmem>>) target(%dma_start3A_218 : memref<4088xi32, #tpu.memory_space<hbm>>) target_semaphore(%run_scoped3A : memref<!tpu.dma_semaphore, #tpu.memory_space<semaphore_mem>>)
      %dma_wait3A = arith.constant 0 : i32
      %dma_wait3A_221 = tpu.memref_slice %arg24[%dma_wait3A] : memref<4096xi32, #tpu.memory_space<vmem>> -> memref<4088xi32, #tpu.memory_space<vmem>>
      %dma_wait3A_222 = tpu.memref_slice %arg12[%multiple_of3A_190] : memref<261632xi32, #tpu.memory_space<hbm>> -> memref<4088xi32, #tpu.memory_space<hbm>>
      %dma_wait3A_223 = tpu.memref_slice %arg12[%multiple_of3A_190] : memref<261632xi32, #tpu.memory_space<hbm>> -> memref<4088xi32, #tpu.memory_space<hbm>>
      %dma_wait3A_224 = arith.constant 0 : i32
      %dma_wait3A_225 = tpu.memref_slice %arg24[%dma_wait3A_224] : memref<4096xi32, #tpu.memory_space<vmem>> -> memref<4088xi32, #tpu.memory_space<vmem>>
      tpu.wait_dma2 semaphore(%run_scoped3A : memref<!tpu.dma_semaphore, #tpu.memory_space<semaphore_mem>>) src(%dma_wait3A_225 : memref<4088xi32, #tpu.memory_space<vmem>>) dst(%dma_wait3A_223 : memref<4088xi32, #tpu.memory_space<hbm>>)
      tpu.yield
    }) : () -> ()
    "tpu.region"() ({
      %run_scoped3A = tpu.sem_alloc : memref<!tpu.dma_semaphore, #tpu.memory_space<semaphore_mem>>
      %dma_start3A = arith.constant 0 : i32
      %dma_start3A_216 = tpu.memref_slice %arg25[%dma_start3A] : memref<4096xi32, #tpu.memory_space<vmem>> -> memref<4088xi32, #tpu.memory_space<vmem>>
      %dma_start3A_217 = tpu.memref_slice %arg13[%multiple_of3A_190] : memref<261632xi32, #tpu.memory_space<hbm>> -> memref<4088xi32, #tpu.memory_space<hbm>>
      %dma_start3A_218 = tpu.memref_slice %arg13[%multiple_of3A_190] : memref<261632xi32, #tpu.memory_space<hbm>> -> memref<4088xi32, #tpu.memory_space<hbm>>
      %dma_start3A_219 = arith.constant 0 : i32
      %dma_start3A_220 = tpu.memref_slice %arg25[%dma_start3A_219] : memref<4096xi32, #tpu.memory_space<vmem>> -> memref<4088xi32, #tpu.memory_space<vmem>>
      tpu.enqueue_dma source(%dma_start3A_220 : memref<4088xi32, #tpu.memory_space<vmem>>) target(%dma_start3A_218 : memref<4088xi32, #tpu.memory_space<hbm>>) target_semaphore(%run_scoped3A : memref<!tpu.dma_semaphore, #tpu.memory_space<semaphore_mem>>)
      %dma_wait3A = arith.constant 0 : i32
      %dma_wait3A_221 = tpu.memref_slice %arg25[%dma_wait3A] : memref<4096xi32, #tpu.memory_space<vmem>> -> memref<4088xi32, #tpu.memory_space<vmem>>
      %dma_wait3A_222 = tpu.memref_slice %arg13[%multiple_of3A_190] : memref<261632xi32, #tpu.memory_space<hbm>> -> memref<4088xi32, #tpu.memory_space<hbm>>
      %dma_wait3A_223 = tpu.memref_slice %arg13[%multiple_of3A_190] : memref<261632xi32, #tpu.memory_space<hbm>> -> memref<4088xi32, #tpu.memory_space<hbm>>
      %dma_wait3A_224 = arith.constant 0 : i32
      %dma_wait3A_225 = tpu.memref_slice %arg25[%dma_wait3A_224] : memref<4096xi32, #tpu.memory_space<vmem>> -> memref<4088xi32, #tpu.memory_space<vmem>>
      tpu.wait_dma2 semaphore(%run_scoped3A : memref<!tpu.dma_semaphore, #tpu.memory_space<semaphore_mem>>) src(%dma_wait3A_225 : memref<4088xi32, #tpu.memory_space<vmem>>) dst(%dma_wait3A_223 : memref<4088xi32, #tpu.memory_space<hbm>>)
      tpu.yield
    }) : () -> ()
    %mul3A_191 = arith.constant 16 : i32
    %mul3A_192 = arith.muli %add3A, %mul3A_191 : i32
    %add3A_193 = arith.constant 8 : i32
    %add3A_194 = arith.addi %mul3A_192, %add3A_193 : i32
    %scan3A_195 = arith.constant 0 : i32
    %scan3A_196 = arith.constant 0 : i32
    %scan3A_197 = arith.constant 8 : i32
    %scan3A_198 = arith.addi %scan3A_196, %scan3A_197 : i32
    %scan3A_199 = arith.constant 1 : i32
    %scan3A_200 = scf.for %scan3A_216 = %scan3A_196 to %scan3A_198 step %scan3A_199 iter_args(%scan3A_217 = %scan3A_195) -> (i32)  : i32 {
      %add3A_218 = arith.addi %add3A_194, %scan3A_216 : i32
      %mul3A_219 = arith.constant 5 : i32
      %mul3A_220 = arith.muli %mul3A_219, %add3A_218 : i32
      %broadcast_in_dim3A = vector.broadcast %mul3A_220 : i32 to vector<16xi32>
      %broadcast_in_dim3A_221 = vector.broadcast %add3A_218 : i32 to vector<16xi32>
      %add3A_222 = arith.addi %broadcast_in_dim3A, %select_n3A_18 : vector<16xi32>
      %gather3A = tpu.vector_load_idx %arg14[%add3A_222] : memref<2576xf32, #tpu.memory_space<vmem>>[vector<16xi32>], vector<16xf32>,
      %add3A_223 = arith.addi %broadcast_in_dim3A, %select_n3A_43 : vector<16xi32>
      %gather3A_224 = tpu.vector_load_idx %arg14[%add3A_223] : memref<2576xf32, #tpu.memory_space<vmem>>[vector<16xi32>], vector<16xf32>,
      %add3A_225 = arith.addi %broadcast_in_dim3A, %select_n3A_68 : vector<16xi32>
      %gather3A_226 = tpu.vector_load_idx %arg14[%add3A_225] : memref<2576xf32, #tpu.memory_space<vmem>>[vector<16xi32>], vector<16xf32>,
      %add3A_227 = arith.addi %broadcast_in_dim3A, %select_n3A_93 : vector<16xi32>
      %gather3A_228 = tpu.vector_load_idx %arg14[%add3A_227] : memref<2576xf32, #tpu.memory_space<vmem>>[vector<16xi32>], vector<16xf32>,
      %add3A_229 = arith.addi %broadcast_in_dim3A, %select_n3A_118 : vector<16xi32>
      %gather3A_230 = tpu.vector_load_idx %arg14[%add3A_229] : memref<2576xf32, #tpu.memory_space<vmem>>[vector<16xi32>], vector<16xf32>,
      %gather3A_231 = tpu.vector_load_idx %arg15[%broadcast_in_dim3A_221] : memref<528xi32, #tpu.memory_space<vmem>>[vector<16xi32>], vector<16xi32>,
      %gather3A_232 = tpu.vector_load_idx %arg16[%broadcast_in_dim3A_221] : memref<528xf32, #tpu.memory_space<vmem>>[vector<16xi32>], vector<16xf32>,
      %mul3A_233 = arith.constant 2555 : i32
      %mul3A_234 = arith.muli %scan3A_216, %mul3A_233 : i32
      %mul3A_235 = arith.constant 511 : i32
      %mul3A_236 = arith.muli %scan3A_216, %mul3A_235 : i32
      %scan3A_237 = arith.constant 0 : i32
      %scan3A_238 = arith.constant 0 : i32
      %scan3A_239 = arith.constant 32 : i32
      %scan3A_240 = arith.addi %scan3A_238, %scan3A_239 : i32
      %scan3A_241 = arith.constant 1 : i32
      %scan3A_242 = scf.for %scan3A_252 = %scan3A_238 to %scan3A_240 step %scan3A_241 iter_args(%scan3A_253 = %scan3A_237) -> (i32)  : i32 {
        %mul3A_254 = arith.constant 80 : i32
        %mul3A_255 = arith.muli %scan3A_252, %mul3A_254 : i32
        %add3A_256 = arith.constant 0 : i32
        %add3A_257 = arith.addi %mul3A_255, %add3A_256 : i32
        %add3A_258 = vector.broadcast %add3A_257 : i32 to vector<16xi32>
        %add3A_259 = arith.addi %add3A_258, %iota3A : vector<16xi32>
        %ge3A = arith.cmpi sge, %add3A_259, %broadcast_in_dim3A : vector<16xi32>
        %jit3A_260 = arith.constant 5 : i32
        %jit3A_261 = arith.constant 0 : i32
        %broadcast_in_dim3A_262 = vector.broadcast %jit3A_260 : i32 to vector<16xi32>
        %broadcast_in_dim3A_263 = vector.broadcast %jit3A_261 : i32 to vector<16xi32>
        %select_n3A_264 = arith.select %ge3A, %broadcast_in_dim3A_262, %broadcast_in_dim3A_263 : vector<16xi1>, vector<16xi32>
        %add3A_265 = arith.addi %add3A_259, %select_n3A_264 : vector<16xi32>
        %gather3A_266 = tpu.vector_load_idx %arg14[%add3A_265] : memref<2576xf32, #tpu.memory_space<vmem>>[vector<16xi32>], vector<16xf32>,
        %add3A_267 = arith.addi %mul3A_234, %mul3A_255 : i32
        %add3A_268 = arith.constant 0 : i32
        %add3A_269 = arith.addi %add3A_267, %add3A_268 : i32
        %swap3A = arith.index_cast %add3A_269 : i32 to index
        %swap3A_270 = tpu.vector_load %arg18[%swap3A] {strides = array<i32>} : memref<20448xf32, #tpu.memory_space<vmem>>, vector<16xf32>,
        tpu.vector_store %arg18[%swap3A], %gather3A_266 {strides = array<i32>} : memref<20448xf32, #tpu.memory_space<vmem>>, vector<16xf32>,
        %swap3A_271 = arith.index_cast %add3A_269 : i32 to index
        %swap3A_272 = tpu.vector_load %arg17[%swap3A_271] {strides = array<i32>} : memref<20448xf32, #tpu.memory_space<vmem>>, vector<16xf32>,
        tpu.vector_store %arg17[%swap3A_271], %gather3A {strides = array<i32>} : memref<20448xf32, #tpu.memory_space<vmem>>, vector<16xf32>,
        %min3A = arith.minimumf %gather3A_266, %gather3A : vector<16xf32>
        %max3A = arith.maximumf %gather3A_266, %gather3A : vector<16xf32>
        %select_n3A_273 = arith.select %or3A, %min3A, %max3A : vector<16xi1>, vector<16xf32>
        %select_n3A_274 = arith.select %eq3A_121, %gather3A, %select_n3A_273 : vector<16xi1>, vector<16xf32>
        %swap3A_275 = arith.index_cast %add3A_269 : i32 to index
        %swap3A_276 = tpu.vector_load %arg19[%swap3A_275] {strides = array<i32>} : memref<20448xf32, #tpu.memory_space<vmem>>, vector<16xf32>,
        tpu.vector_store %arg19[%swap3A_275], %select_n3A_274 {strides = array<i32>} : memref<20448xf32, #tpu.memory_space<vmem>>, vector<16xf32>,
        %add3A_277 = arith.constant 16 : i32
        %add3A_278 = arith.addi %mul3A_255, %add3A_277 : i32
        %add3A_279 = vector.broadcast %add3A_278 : i32 to vector<16xi32>
        %add3A_280 = arith.addi %add3A_279, %iota3A : vector<16xi32>
        %ge3A_281 = arith.cmpi sge, %add3A_280, %broadcast_in_dim3A : vector<16xi32>
        %jit3A_282 = arith.constant 5 : i32
        %jit3A_283 = arith.constant 0 : i32
        %broadcast_in_dim3A_284 = vector.broadcast %jit3A_282 : i32 to vector<16xi32>
        %broadcast_in_dim3A_285 = vector.broadcast %jit3A_283 : i32 to vector<16xi32>
        %select_n3A_286 = arith.select %ge3A_281, %broadcast_in_dim3A_284, %broadcast_in_dim3A_285 : vector<16xi1>, vector<16xi32>
        %add3A_287 = arith.addi %add3A_280, %select_n3A_286 : vector<16xi32>
        %gather3A_288 = tpu.vector_load_idx %arg14[%add3A_287] : memref<2576xf32, #tpu.memory_space<vmem>>[vector<16xi32>], vector<16xf32>,
        %add3A_289 = arith.addi %mul3A_234, %mul3A_255 : i32
        %add3A_290 = arith.constant 16 : i32
        %add3A_291 = arith.addi %add3A_289, %add3A_290 : i32
        %swap3A_292 = arith.index_cast %add3A_291 : i32 to index
        %swap3A_293 = tpu.vector_load %arg18[%swap3A_292] {strides = array<i32>} : memref<20448xf32, #tpu.memory_space<vmem>>, vector<16xf32>,
        tpu.vector_store %arg18[%swap3A_292], %gather3A_288 {strides = array<i32>} : memref<20448xf32, #tpu.memory_space<vmem>>, vector<16xf32>,
        %swap3A_294 = arith.index_cast %add3A_291 : i32 to index
        %swap3A_295 = tpu.vector_load %arg17[%swap3A_294] {strides = array<i32>} : memref<20448xf32, #tpu.memory_space<vmem>>, vector<16xf32>,
        tpu.vector_store %arg17[%swap3A_294], %gather3A_224 {strides = array<i32>} : memref<20448xf32, #tpu.memory_space<vmem>>, vector<16xf32>,
        %min3A_296 = arith.minimumf %gather3A_288, %gather3A_224 : vector<16xf32>
        %max3A_297 = arith.maximumf %gather3A_288, %gather3A_224 : vector<16xf32>
        %select_n3A_298 = arith.select %or3A_146, %min3A_296, %max3A_297 : vector<16xi1>, vector<16xf32>
        %select_n3A_299 = arith.select %eq3A_124, %gather3A_224, %select_n3A_298 : vector<16xi1>, vector<16xf32>
        %swap3A_300 = arith.index_cast %add3A_291 : i32 to index
        %swap3A_301 = tpu.vector_load %arg19[%swap3A_300] {strides = array<i32>} : memref<20448xf32, #tpu.memory_space<vmem>>, vector<16xf32>,
        tpu.vector_store %arg19[%swap3A_300], %select_n3A_299 {strides = array<i32>} : memref<20448xf32, #tpu.memory_space<vmem>>, vector<16xf32>,
        %add3A_302 = arith.constant 32 : i32
        %add3A_303 = arith.addi %mul3A_255, %add3A_302 : i32
        %add3A_304 = vector.broadcast %add3A_303 : i32 to vector<16xi32>
        %add3A_305 = arith.addi %add3A_304, %iota3A : vector<16xi32>
        %ge3A_306 = arith.cmpi sge, %add3A_305, %broadcast_in_dim3A : vector<16xi32>
        %jit3A_307 = arith.constant 5 : i32
        %jit3A_308 = arith.constant 0 : i32
        %broadcast_in_dim3A_309 = vector.broadcast %jit3A_307 : i32 to vector<16xi32>
        %broadcast_in_dim3A_310 = vector.broadcast %jit3A_308 : i32 to vector<16xi32>
        %select_n3A_311 = arith.select %ge3A_306, %broadcast_in_dim3A_309, %broadcast_in_dim3A_310 : vector<16xi1>, vector<16xi32>
        %add3A_312 = arith.addi %add3A_305, %select_n3A_311 : vector<16xi32>
        %gather3A_313 = tpu.vector_load_idx %arg14[%add3A_312] : memref<2576xf32, #tpu.memory_space<vmem>>[vector<16xi32>], vector<16xf32>,
        %add3A_314 = arith.addi %mul3A_234, %mul3A_255 : i32
        %add3A_315 = arith.constant 32 : i32
        %add3A_316 = arith.addi %add3A_314, %add3A_315 : i32
        %swap3A_317 = arith.index_cast %add3A_316 : i32 to index
        %swap3A_318 = tpu.vector_load %arg18[%swap3A_317] {strides = array<i32>} : memref<20448xf32, #tpu.memory_space<vmem>>, vector<16xf32>,
        tpu.vector_store %arg18[%swap3A_317], %gather3A_313 {strides = array<i32>} : memref<20448xf32, #tpu.memory_space<vmem>>, vector<16xf32>,
        %swap3A_319 = arith.index_cast %add3A_316 : i32 to index
        %swap3A_320 = tpu.vector_load %arg17[%swap3A_319] {strides = array<i32>} : memref<20448xf32, #tpu.memory_space<vmem>>, vector<16xf32>,
        tpu.vector_store %arg17[%swap3A_319], %gather3A_226 {strides = array<i32>} : memref<20448xf32, #tpu.memory_space<vmem>>, vector<16xf32>,
        %min3A_321 = arith.minimumf %gather3A_313, %gather3A_226 : vector<16xf32>
        %max3A_322 = arith.maximumf %gather3A_313, %gather3A_226 : vector<16xf32>
        %select_n3A_323 = arith.select %or3A_153, %min3A_321, %max3A_322 : vector<16xi1>, vector<16xf32>
        %select_n3A_324 = arith.select %eq3A_127, %gather3A_226, %select_n3A_323 : vector<16xi1>, vector<16xf32>
        %swap3A_325 = arith.index_cast %add3A_316 : i32 to index
        %swap3A_326 = tpu.vector_load %arg19[%swap3A_325] {strides = array<i32>} : memref<20448xf32, #tpu.memory_space<vmem>>, vector<16xf32>,
        tpu.vector_store %arg19[%swap3A_325], %select_n3A_324 {strides = array<i32>} : memref<20448xf32, #tpu.memory_space<vmem>>, vector<16xf32>,
        %add3A_327 = arith.constant 48 : i32
        %add3A_328 = arith.addi %mul3A_255, %add3A_327 : i32
        %add3A_329 = vector.broadcast %add3A_328 : i32 to vector<16xi32>
        %add3A_330 = arith.addi %add3A_329, %iota3A : vector<16xi32>
        %ge3A_331 = arith.cmpi sge, %add3A_330, %broadcast_in_dim3A : vector<16xi32>
        %jit3A_332 = arith.constant 5 : i32
        %jit3A_333 = arith.constant 0 : i32
        %broadcast_in_dim3A_334 = vector.broadcast %jit3A_332 : i32 to vector<16xi32>
        %broadcast_in_dim3A_335 = vector.broadcast %jit3A_333 : i32 to vector<16xi32>
        %select_n3A_336 = arith.select %ge3A_331, %broadcast_in_dim3A_334, %broadcast_in_dim3A_335 : vector<16xi1>, vector<16xi32>
        %add3A_337 = arith.addi %add3A_330, %select_n3A_336 : vector<16xi32>
        %gather3A_338 = tpu.vector_load_idx %arg14[%add3A_337] : memref<2576xf32, #tpu.memory_space<vmem>>[vector<16xi32>], vector<16xf32>,
        %add3A_339 = arith.addi %mul3A_234, %mul3A_255 : i32
        %add3A_340 = arith.constant 48 : i32
        %add3A_341 = arith.addi %add3A_339, %add3A_340 : i32
        %swap3A_342 = arith.index_cast %add3A_341 : i32 to index
        %swap3A_343 = tpu.vector_load %arg18[%swap3A_342] {strides = array<i32>} : memref<20448xf32, #tpu.memory_space<vmem>>, vector<16xf32>,
        tpu.vector_store %arg18[%swap3A_342], %gather3A_338 {strides = array<i32>} : memref<20448xf32, #tpu.memory_space<vmem>>, vector<16xf32>,
        %swap3A_344 = arith.index_cast %add3A_341 : i32 to index
        %swap3A_345 = tpu.vector_load %arg17[%swap3A_344] {strides = array<i32>} : memref<20448xf32, #tpu.memory_space<vmem>>, vector<16xf32>,
        tpu.vector_store %arg17[%swap3A_344], %gather3A_228 {strides = array<i32>} : memref<20448xf32, #tpu.memory_space<vmem>>, vector<16xf32>,
        %min3A_346 = arith.minimumf %gather3A_338, %gather3A_228 : vector<16xf32>
        %max3A_347 = arith.maximumf %gather3A_338, %gather3A_228 : vector<16xf32>
        %select_n3A_348 = arith.select %or3A_160, %min3A_346, %max3A_347 : vector<16xi1>, vector<16xf32>
        %select_n3A_349 = arith.select %eq3A_130, %gather3A_228, %select_n3A_348 : vector<16xi1>, vector<16xf32>
        %swap3A_350 = arith.index_cast %add3A_341 : i32 to index
        %swap3A_351 = tpu.vector_load %arg19[%swap3A_350] {strides = array<i32>} : memref<20448xf32, #tpu.memory_space<vmem>>, vector<16xf32>,
        tpu.vector_store %arg19[%swap3A_350], %select_n3A_349 {strides = array<i32>} : memref<20448xf32, #tpu.memory_space<vmem>>, vector<16xf32>,
        %add3A_352 = arith.constant 64 : i32
        %add3A_353 = arith.addi %mul3A_255, %add3A_352 : i32
        %add3A_354 = vector.broadcast %add3A_353 : i32 to vector<16xi32>
        %add3A_355 = arith.addi %add3A_354, %iota3A : vector<16xi32>
        %ge3A_356 = arith.cmpi sge, %add3A_355, %broadcast_in_dim3A : vector<16xi32>
        %jit3A_357 = arith.constant 5 : i32
        %jit3A_358 = arith.constant 0 : i32
        %broadcast_in_dim3A_359 = vector.broadcast %jit3A_357 : i32 to vector<16xi32>
        %broadcast_in_dim3A_360 = vector.broadcast %jit3A_358 : i32 to vector<16xi32>
        %select_n3A_361 = arith.select %ge3A_356, %broadcast_in_dim3A_359, %broadcast_in_dim3A_360 : vector<16xi1>, vector<16xi32>
        %add3A_362 = arith.addi %add3A_355, %select_n3A_361 : vector<16xi32>
        %gather3A_363 = tpu.vector_load_idx %arg14[%add3A_362] : memref<2576xf32, #tpu.memory_space<vmem>>[vector<16xi32>], vector<16xf32>,
        %add3A_364 = arith.addi %mul3A_234, %mul3A_255 : i32
        %add3A_365 = arith.constant 64 : i32
        %add3A_366 = arith.addi %add3A_364, %add3A_365 : i32
        %swap3A_367 = arith.index_cast %add3A_366 : i32 to index
        %swap3A_368 = tpu.vector_load %arg18[%swap3A_367] {strides = array<i32>} : memref<20448xf32, #tpu.memory_space<vmem>>, vector<16xf32>,
        tpu.vector_store %arg18[%swap3A_367], %gather3A_363 {strides = array<i32>} : memref<20448xf32, #tpu.memory_space<vmem>>, vector<16xf32>,
        %swap3A_369 = arith.index_cast %add3A_366 : i32 to index
        %swap3A_370 = tpu.vector_load %arg17[%swap3A_369] {strides = array<i32>} : memref<20448xf32, #tpu.memory_space<vmem>>, vector<16xf32>,
        tpu.vector_store %arg17[%swap3A_369], %gather3A_230 {strides = array<i32>} : memref<20448xf32, #tpu.memory_space<vmem>>, vector<16xf32>,
        %min3A_371 = arith.minimumf %gather3A_363, %gather3A_230 : vector<16xf32>
        %max3A_372 = arith.maximumf %gather3A_363, %gather3A_230 : vector<16xf32>
        %select_n3A_373 = arith.select %or3A_167, %min3A_371, %max3A_372 : vector<16xi1>, vector<16xf32>
        %select_n3A_374 = arith.select %eq3A_133, %gather3A_230, %select_n3A_373 : vector<16xi1>, vector<16xf32>
        %swap3A_375 = arith.index_cast %add3A_366 : i32 to index
        %swap3A_376 = tpu.vector_load %arg19[%swap3A_375] {strides = array<i32>} : memref<20448xf32, #tpu.memory_space<vmem>>, vector<16xf32>,
        tpu.vector_store %arg19[%swap3A_375], %select_n3A_374 {strides = array<i32>} : memref<20448xf32, #tpu.memory_space<vmem>>, vector<16xf32>,
        %scan3A_377 = arith.constant 0 : i32
        scf.yield %scan3A_377 : i32
      }
      %scan3A_243 = arith.constant 32 : i32
      %scan3A_244 = arith.constant 0 : i32
      %scan3A_245 = arith.constant 0 : i32
      %scan3A_246 = arith.constant 32 : i32
      %scan3A_247 = arith.addi %scan3A_245, %scan3A_246 : i32
      %scan3A_248 = arith.constant 1 : i32
      %scan3A_249 = scf.for %scan3A_252 = %scan3A_245 to %scan3A_247 step %scan3A_248 iter_args(%scan3A_253 = %scan3A_244) -> (i32)  : i32 {
        %mul3A_254 = arith.constant 16 : i32
        %mul3A_255 = arith.muli %scan3A_252, %mul3A_254 : i32
        %add3A_256 = vector.broadcast %mul3A_255 : i32 to vector<16xi32>
        %add3A_257 = arith.addi %add3A_256, %iota3A : vector<16xi32>
        %ge3A = arith.cmpi sge, %add3A_257, %broadcast_in_dim3A_221 : vector<16xi32>
        %jit3A_258 = arith.constant 1 : i32
        %jit3A_259 = arith.constant 0 : i32
        %broadcast_in_dim3A_260 = vector.broadcast %jit3A_258 : i32 to vector<16xi32>
        %broadcast_in_dim3A_261 = vector.broadcast %jit3A_259 : i32 to vector<16xi32>
        %select_n3A_262 = arith.select %ge3A, %broadcast_in_dim3A_260, %broadcast_in_dim3A_261 : vector<16xi1>, vector<16xi32>
        %add3A_263 = arith.addi %add3A_257, %select_n3A_262 : vector<16xi32>
        %mul3A_264 = arith.constant 16 : i32
        %mul3A_265 = arith.muli %scan3A_252, %mul3A_264 : i32
        %add3A_266 = arith.addi %mul3A_236, %mul3A_265 : i32
        %gather3A_267 = tpu.vector_load_idx %arg15[%add3A_263] : memref<528xi32, #tpu.memory_space<vmem>>[vector<16xi32>], vector<16xi32>,
        %swap3A = arith.index_cast %add3A_266 : i32 to index
        %swap3A_268 = tpu.vector_load %arg21[%swap3A] {strides = array<i32>} : memref<4096xi32, #tpu.memory_space<vmem>>, vector<16xi32>,
        tpu.vector_store %arg21[%swap3A], %gather3A_267 {strides = array<i32>} : memref<4096xi32, #tpu.memory_space<vmem>>, vector<16xi32>,
        %gather3A_269 = tpu.vector_load_idx %arg16[%add3A_263] : memref<528xf32, #tpu.memory_space<vmem>>[vector<16xi32>], vector<16xf32>,
        %swap3A_270 = arith.index_cast %add3A_266 : i32 to index
        %swap3A_271 = tpu.vector_load %arg23[%swap3A_270] {strides = array<i32>} : memref<4096xf32, #tpu.memory_space<vmem>>, vector<16xf32>,
        tpu.vector_store %arg23[%swap3A_270], %gather3A_269 {strides = array<i32>} : memref<4096xf32, #tpu.memory_space<vmem>>, vector<16xf32>,
        %swap3A_272 = arith.index_cast %add3A_266 : i32 to index
        %swap3A_273 = tpu.vector_load %arg25[%swap3A_272] {strides = array<i32>} : memref<4096xi32, #tpu.memory_space<vmem>>, vector<16xi32>,
        tpu.vector_store %arg25[%swap3A_272], %add3A_263 {strides = array<i32>} : memref<4096xi32, #tpu.memory_space<vmem>>, vector<16xi32>,
        %swap3A_274 = arith.index_cast %add3A_266 : i32 to index
        %swap3A_275 = tpu.vector_load %arg24[%swap3A_274] {strides = array<i32>} : memref<4096xi32, #tpu.memory_space<vmem>>, vector<16xi32>,
        tpu.vector_store %arg24[%swap3A_274], %broadcast_in_dim3A_221 {strides = array<i32>} : memref<4096xi32, #tpu.memory_space<vmem>>, vector<16xi32>,
        %swap3A_276 = arith.index_cast %add3A_266 : i32 to index
        %swap3A_277 = tpu.vector_load %arg20[%swap3A_276] {strides = array<i32>} : memref<4096xi32, #tpu.memory_space<vmem>>, vector<16xi32>,
        tpu.vector_store %arg20[%swap3A_276], %gather3A_231 {strides = array<i32>} : memref<4096xi32, #tpu.memory_space<vmem>>, vector<16xi32>,
        %swap3A_278 = arith.index_cast %add3A_266 : i32 to index
        %swap3A_279 = tpu.vector_load %arg22[%swap3A_278] {strides = array<i32>} : memref<4096xf32, #tpu.memory_space<vmem>>, vector<16xf32>,
        tpu.vector_store %arg22[%swap3A_278], %gather3A_232 {strides = array<i32>} : memref<4096xf32, #tpu.memory_space<vmem>>, vector<16xf32>,
        %scan3A_280 = arith.constant 0 : i32
        scf.yield %scan3A_280 : i32
      }
      %scan3A_250 = arith.constant 32 : i32
      %scan3A_251 = arith.constant 0 : i32
      scf.yield %scan3A_251 : i32
    }
    %scan3A_201 = arith.constant 8 : i32
    %mul3A_202 = arith.constant 2 : i32
    %mul3A_203 = arith.muli %add3A, %mul3A_202 : i32
    %add3A_204 = arith.constant 1 : i32
    %add3A_205 = arith.addi %mul3A_203, %add3A_204 : i32
    %mul3A_206 = arith.constant 20440 : i32
    %mul3A_207 = arith.muli %add3A_205, %mul3A_206 : i32
    %multiple_of3A_208 = tpu.assume_multiple %mul3A_207, 8 : i32
    %mul3A_209 = arith.constant 2 : i32
    %mul3A_210 = arith.muli %add3A, %mul3A_209 : i32
    %add3A_211 = arith.constant 1 : i32
    %add3A_212 = arith.addi %mul3A_210, %add3A_211 : i32
    %mul3A_213 = arith.constant 4088 : i32
    %mul3A_214 = arith.muli %add3A_212, %mul3A_213 : i32
    %multiple_of3A_215 = tpu.assume_multiple %mul3A_214, 8 : i32
    "tpu.region"() ({
      %run_scoped3A = tpu.sem_alloc : memref<!tpu.dma_semaphore, #tpu.memory_space<semaphore_mem>>
      %dma_start3A = arith.constant 0 : i32
      %dma_start3A_216 = tpu.memref_slice %arg17[%dma_start3A] : memref<20448xf32, #tpu.memory_space<vmem>> -> memref<20440xf32, #tpu.memory_space<vmem>>
      %dma_start3A_217 = tpu.memref_slice %arg5[%multiple_of3A_208] : memref<1308160xf32, #tpu.memory_space<hbm>> -> memref<20440xf32, #tpu.memory_space<hbm>>
      %dma_start3A_218 = tpu.memref_slice %arg5[%multiple_of3A_208] : memref<1308160xf32, #tpu.memory_space<hbm>> -> memref<20440xf32, #tpu.memory_space<hbm>>
      %dma_start3A_219 = arith.constant 0 : i32
      %dma_start3A_220 = tpu.memref_slice %arg17[%dma_start3A_219] : memref<20448xf32, #tpu.memory_space<vmem>> -> memref<20440xf32, #tpu.memory_space<vmem>>
      tpu.enqueue_dma source(%dma_start3A_220 : memref<20440xf32, #tpu.memory_space<vmem>>) target(%dma_start3A_218 : memref<20440xf32, #tpu.memory_space<hbm>>) target_semaphore(%run_scoped3A : memref<!tpu.dma_semaphore, #tpu.memory_space<semaphore_mem>>)
      %dma_wait3A = arith.constant 0 : i32
      %dma_wait3A_221 = tpu.memref_slice %arg17[%dma_wait3A] : memref<20448xf32, #tpu.memory_space<vmem>> -> memref<20440xf32, #tpu.memory_space<vmem>>
      %dma_wait3A_222 = tpu.memref_slice %arg5[%multiple_of3A_208] : memref<1308160xf32, #tpu.memory_space<hbm>> -> memref<20440xf32, #tpu.memory_space<hbm>>
      %dma_wait3A_223 = tpu.memref_slice %arg5[%multiple_of3A_208] : memref<1308160xf32, #tpu.memory_space<hbm>> -> memref<20440xf32, #tpu.memory_space<hbm>>
      %dma_wait3A_224 = arith.constant 0 : i32
      %dma_wait3A_225 = tpu.memref_slice %arg17[%dma_wait3A_224] : memref<20448xf32, #tpu.memory_space<vmem>> -> memref<20440xf32, #tpu.memory_space<vmem>>
      tpu.wait_dma2 semaphore(%run_scoped3A : memref<!tpu.dma_semaphore, #tpu.memory_space<semaphore_mem>>) src(%dma_wait3A_225 : memref<20440xf32, #tpu.memory_space<vmem>>) dst(%dma_wait3A_223 : memref<20440xf32, #tpu.memory_space<hbm>>)
      tpu.yield
    }) : () -> ()
    "tpu.region"() ({
      %run_scoped3A = tpu.sem_alloc : memref<!tpu.dma_semaphore, #tpu.memory_space<semaphore_mem>>
      %dma_start3A = arith.constant 0 : i32
      %dma_start3A_216 = tpu.memref_slice %arg18[%dma_start3A] : memref<20448xf32, #tpu.memory_space<vmem>> -> memref<20440xf32, #tpu.memory_space<vmem>>
      %dma_start3A_217 = tpu.memref_slice %arg6[%multiple_of3A_208] : memref<1308160xf32, #tpu.memory_space<hbm>> -> memref<20440xf32, #tpu.memory_space<hbm>>
      %dma_start3A_218 = tpu.memref_slice %arg6[%multiple_of3A_208] : memref<1308160xf32, #tpu.memory_space<hbm>> -> memref<20440xf32, #tpu.memory_space<hbm>>
      %dma_start3A_219 = arith.constant 0 : i32
      %dma_start3A_220 = tpu.memref_slice %arg18[%dma_start3A_219] : memref<20448xf32, #tpu.memory_space<vmem>> -> memref<20440xf32, #tpu.memory_space<vmem>>
      tpu.enqueue_dma source(%dma_start3A_220 : memref<20440xf32, #tpu.memory_space<vmem>>) target(%dma_start3A_218 : memref<20440xf32, #tpu.memory_space<hbm>>) target_semaphore(%run_scoped3A : memref<!tpu.dma_semaphore, #tpu.memory_space<semaphore_mem>>)
      %dma_wait3A = arith.constant 0 : i32
      %dma_wait3A_221 = tpu.memref_slice %arg18[%dma_wait3A] : memref<20448xf32, #tpu.memory_space<vmem>> -> memref<20440xf32, #tpu.memory_space<vmem>>
      %dma_wait3A_222 = tpu.memref_slice %arg6[%multiple_of3A_208] : memref<1308160xf32, #tpu.memory_space<hbm>> -> memref<20440xf32, #tpu.memory_space<hbm>>
      %dma_wait3A_223 = tpu.memref_slice %arg6[%multiple_of3A_208] : memref<1308160xf32, #tpu.memory_space<hbm>> -> memref<20440xf32, #tpu.memory_space<hbm>>
      %dma_wait3A_224 = arith.constant 0 : i32
      %dma_wait3A_225 = tpu.memref_slice %arg18[%dma_wait3A_224] : memref<20448xf32, #tpu.memory_space<vmem>> -> memref<20440xf32, #tpu.memory_space<vmem>>
      tpu.wait_dma2 semaphore(%run_scoped3A : memref<!tpu.dma_semaphore, #tpu.memory_space<semaphore_mem>>) src(%dma_wait3A_225 : memref<20440xf32, #tpu.memory_space<vmem>>) dst(%dma_wait3A_223 : memref<20440xf32, #tpu.memory_space<hbm>>)
      tpu.yield
    }) : () -> ()
    "tpu.region"() ({
      %run_scoped3A = tpu.sem_alloc : memref<!tpu.dma_semaphore, #tpu.memory_space<semaphore_mem>>
      %dma_start3A = arith.constant 0 : i32
      %dma_start3A_216 = tpu.memref_slice %arg19[%dma_start3A] : memref<20448xf32, #tpu.memory_space<vmem>> -> memref<20440xf32, #tpu.memory_space<vmem>>
      %dma_start3A_217 = tpu.memref_slice %arg7[%multiple_of3A_208] : memref<1308160xf32, #tpu.memory_space<hbm>> -> memref<20440xf32, #tpu.memory_space<hbm>>
      %dma_start3A_218 = tpu.memref_slice %arg7[%multiple_of3A_208] : memref<1308160xf32, #tpu.memory_space<hbm>> -> memref<20440xf32, #tpu.memory_space<hbm>>
      %dma_start3A_219 = arith.constant 0 : i32
      %dma_start3A_220 = tpu.memref_slice %arg19[%dma_start3A_219] : memref<20448xf32, #tpu.memory_space<vmem>> -> memref<20440xf32, #tpu.memory_space<vmem>>
      tpu.enqueue_dma source(%dma_start3A_220 : memref<20440xf32, #tpu.memory_space<vmem>>) target(%dma_start3A_218 : memref<20440xf32, #tpu.memory_space<hbm>>) target_semaphore(%run_scoped3A : memref<!tpu.dma_semaphore, #tpu.memory_space<semaphore_mem>>)
      %dma_wait3A = arith.constant 0 : i32
      %dma_wait3A_221 = tpu.memref_slice %arg19[%dma_wait3A] : memref<20448xf32, #tpu.memory_space<vmem>> -> memref<20440xf32, #tpu.memory_space<vmem>>
      %dma_wait3A_222 = tpu.memref_slice %arg7[%multiple_of3A_208] : memref<1308160xf32, #tpu.memory_space<hbm>> -> memref<20440xf32, #tpu.memory_space<hbm>>
      %dma_wait3A_223 = tpu.memref_slice %arg7[%multiple_of3A_208] : memref<1308160xf32, #tpu.memory_space<hbm>> -> memref<20440xf32, #tpu.memory_space<hbm>>
      %dma_wait3A_224 = arith.constant 0 : i32
      %dma_wait3A_225 = tpu.memref_slice %arg19[%dma_wait3A_224] : memref<20448xf32, #tpu.memory_space<vmem>> -> memref<20440xf32, #tpu.memory_space<vmem>>
      tpu.wait_dma2 semaphore(%run_scoped3A : memref<!tpu.dma_semaphore, #tpu.memory_space<semaphore_mem>>) src(%dma_wait3A_225 : memref<20440xf32, #tpu.memory_space<vmem>>) dst(%dma_wait3A_223 : memref<20440xf32, #tpu.memory_space<hbm>>)
      tpu.yield
    }) : () -> ()
    "tpu.region"() ({
      %run_scoped3A = tpu.sem_alloc : memref<!tpu.dma_semaphore, #tpu.memory_space<semaphore_mem>>
      %dma_start3A = arith.constant 0 : i32
      %dma_start3A_216 = tpu.memref_slice %arg20[%dma_start3A] : memref<4096xi32, #tpu.memory_space<vmem>> -> memref<4088xi32, #tpu.memory_space<vmem>>
      %dma_start3A_217 = tpu.memref_slice %arg8[%multiple_of3A_215] : memref<261632xi32, #tpu.memory_space<hbm>> -> memref<4088xi32, #tpu.memory_space<hbm>>
      %dma_start3A_218 = tpu.memref_slice %arg8[%multiple_of3A_215] : memref<261632xi32, #tpu.memory_space<hbm>> -> memref<4088xi32, #tpu.memory_space<hbm>>
      %dma_start3A_219 = arith.constant 0 : i32
      %dma_start3A_220 = tpu.memref_slice %arg20[%dma_start3A_219] : memref<4096xi32, #tpu.memory_space<vmem>> -> memref<4088xi32, #tpu.memory_space<vmem>>
      tpu.enqueue_dma source(%dma_start3A_220 : memref<4088xi32, #tpu.memory_space<vmem>>) target(%dma_start3A_218 : memref<4088xi32, #tpu.memory_space<hbm>>) target_semaphore(%run_scoped3A : memref<!tpu.dma_semaphore, #tpu.memory_space<semaphore_mem>>)
      %dma_wait3A = arith.constant 0 : i32
      %dma_wait3A_221 = tpu.memref_slice %arg20[%dma_wait3A] : memref<4096xi32, #tpu.memory_space<vmem>> -> memref<4088xi32, #tpu.memory_space<vmem>>
      %dma_wait3A_222 = tpu.memref_slice %arg8[%multiple_of3A_215] : memref<261632xi32, #tpu.memory_space<hbm>> -> memref<4088xi32, #tpu.memory_space<hbm>>
      %dma_wait3A_223 = tpu.memref_slice %arg8[%multiple_of3A_215] : memref<261632xi32, #tpu.memory_space<hbm>> -> memref<4088xi32, #tpu.memory_space<hbm>>
      %dma_wait3A_224 = arith.constant 0 : i32
      %dma_wait3A_225 = tpu.memref_slice %arg20[%dma_wait3A_224] : memref<4096xi32, #tpu.memory_space<vmem>> -> memref<4088xi32, #tpu.memory_space<vmem>>
      tpu.wait_dma2 semaphore(%run_scoped3A : memref<!tpu.dma_semaphore, #tpu.memory_space<semaphore_mem>>) src(%dma_wait3A_225 : memref<4088xi32, #tpu.memory_space<vmem>>) dst(%dma_wait3A_223 : memref<4088xi32, #tpu.memory_space<hbm>>)
      tpu.yield
    }) : () -> ()
    "tpu.region"() ({
      %run_scoped3A = tpu.sem_alloc : memref<!tpu.dma_semaphore, #tpu.memory_space<semaphore_mem>>
      %dma_start3A = arith.constant 0 : i32
      %dma_start3A_216 = tpu.memref_slice %arg21[%dma_start3A] : memref<4096xi32, #tpu.memory_space<vmem>> -> memref<4088xi32, #tpu.memory_space<vmem>>
      %dma_start3A_217 = tpu.memref_slice %arg9[%multiple_of3A_215] : memref<261632xi32, #tpu.memory_space<hbm>> -> memref<4088xi32, #tpu.memory_space<hbm>>
      %dma_start3A_218 = tpu.memref_slice %arg9[%multiple_of3A_215] : memref<261632xi32, #tpu.memory_space<hbm>> -> memref<4088xi32, #tpu.memory_space<hbm>>
      %dma_start3A_219 = arith.constant 0 : i32
      %dma_start3A_220 = tpu.memref_slice %arg21[%dma_start3A_219] : memref<4096xi32, #tpu.memory_space<vmem>> -> memref<4088xi32, #tpu.memory_space<vmem>>
      tpu.enqueue_dma source(%dma_start3A_220 : memref<4088xi32, #tpu.memory_space<vmem>>) target(%dma_start3A_218 : memref<4088xi32, #tpu.memory_space<hbm>>) target_semaphore(%run_scoped3A : memref<!tpu.dma_semaphore, #tpu.memory_space<semaphore_mem>>)
      %dma_wait3A = arith.constant 0 : i32
      %dma_wait3A_221 = tpu.memref_slice %arg21[%dma_wait3A] : memref<4096xi32, #tpu.memory_space<vmem>> -> memref<4088xi32, #tpu.memory_space<vmem>>
      %dma_wait3A_222 = tpu.memref_slice %arg9[%multiple_of3A_215] : memref<261632xi32, #tpu.memory_space<hbm>> -> memref<4088xi32, #tpu.memory_space<hbm>>
      %dma_wait3A_223 = tpu.memref_slice %arg9[%multiple_of3A_215] : memref<261632xi32, #tpu.memory_space<hbm>> -> memref<4088xi32, #tpu.memory_space<hbm>>
      %dma_wait3A_224 = arith.constant 0 : i32
      %dma_wait3A_225 = tpu.memref_slice %arg21[%dma_wait3A_224] : memref<4096xi32, #tpu.memory_space<vmem>> -> memref<4088xi32, #tpu.memory_space<vmem>>
      tpu.wait_dma2 semaphore(%run_scoped3A : memref<!tpu.dma_semaphore, #tpu.memory_space<semaphore_mem>>) src(%dma_wait3A_225 : memref<4088xi32, #tpu.memory_space<vmem>>) dst(%dma_wait3A_223 : memref<4088xi32, #tpu.memory_space<hbm>>)
      tpu.yield
    }) : () -> ()
    "tpu.region"() ({
      %run_scoped3A = tpu.sem_alloc : memref<!tpu.dma_semaphore, #tpu.memory_space<semaphore_mem>>
      %dma_start3A = arith.constant 0 : i32
      %dma_start3A_216 = tpu.memref_slice %arg22[%dma_start3A] : memref<4096xf32, #tpu.memory_space<vmem>> -> memref<4088xf32, #tpu.memory_space<vmem>>
      %dma_start3A_217 = tpu.memref_slice %arg10[%multiple_of3A_215] : memref<261632xf32, #tpu.memory_space<hbm>> -> memref<4088xf32, #tpu.memory_space<hbm>>
      %dma_start3A_218 = tpu.memref_slice %arg10[%multiple_of3A_215] : memref<261632xf32, #tpu.memory_space<hbm>> -> memref<4088xf32, #tpu.memory_space<hbm>>
      %dma_start3A_219 = arith.constant 0 : i32
      %dma_start3A_220 = tpu.memref_slice %arg22[%dma_start3A_219] : memref<4096xf32, #tpu.memory_space<vmem>> -> memref<4088xf32, #tpu.memory_space<vmem>>
      tpu.enqueue_dma source(%dma_start3A_220 : memref<4088xf32, #tpu.memory_space<vmem>>) target(%dma_start3A_218 : memref<4088xf32, #tpu.memory_space<hbm>>) target_semaphore(%run_scoped3A : memref<!tpu.dma_semaphore, #tpu.memory_space<semaphore_mem>>)
      %dma_wait3A = arith.constant 0 : i32
      %dma_wait3A_221 = tpu.memref_slice %arg22[%dma_wait3A] : memref<4096xf32, #tpu.memory_space<vmem>> -> memref<4088xf32, #tpu.memory_space<vmem>>
      %dma_wait3A_222 = tpu.memref_slice %arg10[%multiple_of3A_215] : memref<261632xf32, #tpu.memory_space<hbm>> -> memref<4088xf32, #tpu.memory_space<hbm>>
      %dma_wait3A_223 = tpu.memref_slice %arg10[%multiple_of3A_215] : memref<261632xf32, #tpu.memory_space<hbm>> -> memref<4088xf32, #tpu.memory_space<hbm>>
      %dma_wait3A_224 = arith.constant 0 : i32
      %dma_wait3A_225 = tpu.memref_slice %arg22[%dma_wait3A_224] : memref<4096xf32, #tpu.memory_space<vmem>> -> memref<4088xf32, #tpu.memory_space<vmem>>
      tpu.wait_dma2 semaphore(%run_scoped3A : memref<!tpu.dma_semaphore, #tpu.memory_space<semaphore_mem>>) src(%dma_wait3A_225 : memref<4088xf32, #tpu.memory_space<vmem>>) dst(%dma_wait3A_223 : memref<4088xf32, #tpu.memory_space<hbm>>)
      tpu.yield
    }) : () -> ()
    "tpu.region"() ({
      %run_scoped3A = tpu.sem_alloc : memref<!tpu.dma_semaphore, #tpu.memory_space<semaphore_mem>>
      %dma_start3A = arith.constant 0 : i32
      %dma_start3A_216 = tpu.memref_slice %arg23[%dma_start3A] : memref<4096xf32, #tpu.memory_space<vmem>> -> memref<4088xf32, #tpu.memory_space<vmem>>
      %dma_start3A_217 = tpu.memref_slice %arg11[%multiple_of3A_215] : memref<261632xf32, #tpu.memory_space<hbm>> -> memref<4088xf32, #tpu.memory_space<hbm>>
      %dma_start3A_218 = tpu.memref_slice %arg11[%multiple_of3A_215] : memref<261632xf32, #tpu.memory_space<hbm>> -> memref<4088xf32, #tpu.memory_space<hbm>>
      %dma_start3A_219 = arith.constant 0 : i32
      %dma_start3A_220 = tpu.memref_slice %arg23[%dma_start3A_219] : memref<4096xf32, #tpu.memory_space<vmem>> -> memref<4088xf32, #tpu.memory_space<vmem>>
      tpu.enqueue_dma source(%dma_start3A_220 : memref<4088xf32, #tpu.memory_space<vmem>>) target(%dma_start3A_218 : memref<4088xf32, #tpu.memory_space<hbm>>) target_semaphore(%run_scoped3A : memref<!tpu.dma_semaphore, #tpu.memory_space<semaphore_mem>>)
      %dma_wait3A = arith.constant 0 : i32
      %dma_wait3A_221 = tpu.memref_slice %arg23[%dma_wait3A] : memref<4096xf32, #tpu.memory_space<vmem>> -> memref<4088xf32, #tpu.memory_space<vmem>>
      %dma_wait3A_222 = tpu.memref_slice %arg11[%multiple_of3A_215] : memref<261632xf32, #tpu.memory_space<hbm>> -> memref<4088xf32, #tpu.memory_space<hbm>>
      %dma_wait3A_223 = tpu.memref_slice %arg11[%multiple_of3A_215] : memref<261632xf32, #tpu.memory_space<hbm>> -> memref<4088xf32, #tpu.memory_space<hbm>>
      %dma_wait3A_224 = arith.constant 0 : i32
      %dma_wait3A_225 = tpu.memref_slice %arg23[%dma_wait3A_224] : memref<4096xf32, #tpu.memory_space<vmem>> -> memref<4088xf32, #tpu.memory_space<vmem>>
      tpu.wait_dma2 semaphore(%run_scoped3A : memref<!tpu.dma_semaphore, #tpu.memory_space<semaphore_mem>>) src(%dma_wait3A_225 : memref<4088xf32, #tpu.memory_space<vmem>>) dst(%dma_wait3A_223 : memref<4088xf32, #tpu.memory_space<hbm>>)
      tpu.yield
    }) : () -> ()
    "tpu.region"() ({
      %run_scoped3A = tpu.sem_alloc : memref<!tpu.dma_semaphore, #tpu.memory_space<semaphore_mem>>
      %dma_start3A = arith.constant 0 : i32
      %dma_start3A_216 = tpu.memref_slice %arg24[%dma_start3A] : memref<4096xi32, #tpu.memory_space<vmem>> -> memref<4088xi32, #tpu.memory_space<vmem>>
      %dma_start3A_217 = tpu.memref_slice %arg12[%multiple_of3A_215] : memref<261632xi32, #tpu.memory_space<hbm>> -> memref<4088xi32, #tpu.memory_space<hbm>>
      %dma_start3A_218 = tpu.memref_slice %arg12[%multiple_of3A_215] : memref<261632xi32, #tpu.memory_space<hbm>> -> memref<4088xi32, #tpu.memory_space<hbm>>
      %dma_start3A_219 = arith.constant 0 : i32
      %dma_start3A_220 = tpu.memref_slice %arg24[%dma_start3A_219] : memref<4096xi32, #tpu.memory_space<vmem>> -> memref<4088xi32, #tpu.memory_space<vmem>>
      tpu.enqueue_dma source(%dma_start3A_220 : memref<4088xi32, #tpu.memory_space<vmem>>) target(%dma_start3A_218 : memref<4088xi32, #tpu.memory_space<hbm>>) target_semaphore(%run_scoped3A : memref<!tpu.dma_semaphore, #tpu.memory_space<semaphore_mem>>)
      %dma_wait3A = arith.constant 0 : i32
      %dma_wait3A_221 = tpu.memref_slice %arg24[%dma_wait3A] : memref<4096xi32, #tpu.memory_space<vmem>> -> memref<4088xi32, #tpu.memory_space<vmem>>
      %dma_wait3A_222 = tpu.memref_slice %arg12[%multiple_of3A_215] : memref<261632xi32, #tpu.memory_space<hbm>> -> memref<4088xi32, #tpu.memory_space<hbm>>
      %dma_wait3A_223 = tpu.memref_slice %arg12[%multiple_of3A_215] : memref<261632xi32, #tpu.memory_space<hbm>> -> memref<4088xi32, #tpu.memory_space<hbm>>
      %dma_wait3A_224 = arith.constant 0 : i32
      %dma_wait3A_225 = tpu.memref_slice %arg24[%dma_wait3A_224] : memref<4096xi32, #tpu.memory_space<vmem>> -> memref<4088xi32, #tpu.memory_space<vmem>>
      tpu.wait_dma2 semaphore(%run_scoped3A : memref<!tpu.dma_semaphore, #tpu.memory_space<semaphore_mem>>) src(%dma_wait3A_225 : memref<4088xi32, #tpu.memory_space<vmem>>) dst(%dma_wait3A_223 : memref<4088xi32, #tpu.memory_space<hbm>>)
      tpu.yield
    }) : () -> ()
    "tpu.region"() ({
      %run_scoped3A = tpu.sem_alloc : memref<!tpu.dma_semaphore, #tpu.memory_space<semaphore_mem>>
      %dma_start3A = arith.constant 0 : i32
      %dma_start3A_216 = tpu.memref_slice %arg25[%dma_start3A] : memref<4096xi32, #tpu.memory_space<vmem>> -> memref<4088xi32, #tpu.memory_space<vmem>>
      %dma_start3A_217 = tpu.memref_slice %arg13[%multiple_of3A_215] : memref<261632xi32, #tpu.memory_space<hbm>> -> memref<4088xi32, #tpu.memory_space<hbm>>
      %dma_start3A_218 = tpu.memref_slice %arg13[%multiple_of3A_215] : memref<261632xi32, #tpu.memory_space<hbm>> -> memref<4088xi32, #tpu.memory_space<hbm>>
      %dma_start3A_219 = arith.constant 0 : i32
      %dma_start3A_220 = tpu.memref_slice %arg25[%dma_start3A_219] : memref<4096xi32, #tpu.memory_space<vmem>> -> memref<4088xi32, #tpu.memory_space<vmem>>
      tpu.enqueue_dma source(%dma_start3A_220 : memref<4088xi32, #tpu.memory_space<vmem>>) target(%dma_start3A_218 : memref<4088xi32, #tpu.memory_space<hbm>>) target_semaphore(%run_scoped3A : memref<!tpu.dma_semaphore, #tpu.memory_space<semaphore_mem>>)
      %dma_wait3A = arith.constant 0 : i32
      %dma_wait3A_221 = tpu.memref_slice %arg25[%dma_wait3A] : memref<4096xi32, #tpu.memory_space<vmem>> -> memref<4088xi32, #tpu.memory_space<vmem>>
      %dma_wait3A_222 = tpu.memref_slice %arg13[%multiple_of3A_215] : memref<261632xi32, #tpu.memory_space<hbm>> -> memref<4088xi32, #tpu.memory_space<hbm>>
      %dma_wait3A_223 = tpu.memref_slice %arg13[%multiple_of3A_215] : memref<261632xi32, #tpu.memory_space<hbm>> -> memref<4088xi32, #tpu.memory_space<hbm>>
      %dma_wait3A_224 = arith.constant 0 : i32
      %dma_wait3A_225 = tpu.memref_slice %arg25[%dma_wait3A_224] : memref<4096xi32, #tpu.memory_space<vmem>> -> memref<4088xi32, #tpu.memory_space<vmem>>
      tpu.wait_dma2 semaphore(%run_scoped3A : memref<!tpu.dma_semaphore, #tpu.memory_space<semaphore_mem>>) src(%dma_wait3A_225 : memref<4088xi32, #tpu.memory_space<vmem>>) dst(%dma_wait3A_223 : memref<4088xi32, #tpu.memory_space<hbm>>)
      tpu.yield
    }) : () -> ()
    return
  }
}

</mosaic_0001>

<sc_bundles>
// kernel: kernel.3.cloned.1.call-start
scs
__scs_entry_jumppad:
0x0: {  	(pc) =	sbr.rel $0x88, $3  }
0x1: {  	(tag) =	ssettag $0x0;
	lr =	simm.s32 $0x1  }
0x2: {  	[smem:$0x3F9E] =	sst lr;
	_ =	strace $0xD0000000  }
0x3: {  	_ = 	snop  }
0x4: {  	_ = 	snop  }
0x5: {  	_ = 	snop  }
0x6: {  	_ = 	snop  }
0x7: {  	_ = 	snop  }
__scs_overlays_trampoline_lowered:
0x8: {  	[smem:$0x3FAD] =	sst s0  }
0x9: {  	[smem:$0x3FAE] =	sst s1  }
0xa: {  	[smem:$0x3FAF] =	sst s2  }
0xb: {  	[smem:$0x3FB0] =	sst s3  }
0xc: {  	[smem:$0x3FB1] =	sst s4  }
0xd: {  	[smem:$0x3FB2] =	sst s5  }
0xe: {  	[smem:$0x3FB3] =	sst s6  }
0xf: {  	[smem:$0x3FB4] =	sst s7  }
0x10: {  	[smem:$0x3FB5] =	sst s8  }
0x11: {  	[smem:$0x3FB6] =	sst s9;
	s0 =	simm.s32 @!p0 $0x0  }
0x12: {  	s1 =	sld [smem:$0x3F9C];
	s0 =	simm.s32 @p0 $0x1  }
0x13: {  	[smem:$0x3FB7] =	sst s0;
	s0 =	simm.s32 @!p1 $0x0  }
0x14: {  	s2 =	sld [smem:$0x3F9B];
	s0 =	simm.s32 @p1 $0x1  }
0x15: {  	[smem:$0x3FB8] =	sst s0;
	s0 =	simm.s32 @!p2 $0x0  }
0x16: {  	s3 =	sld [smem:$0x3FDB];
	s0 =	simm.s32 @p2 $0x1  }
0x17: {  	s4 =	simm.s32 $0x1BF5;
	[smem:$0x3FBA] =	sst s0  }
0x18: {  	s0 =	sld [smem:$0x3F9D];
	_ =	swait.ge [sflag:s4], $0x0  }
0x19: {  	s7 =	sld [smem:$0x3F9E]  }
0x1a: {  	s8 =	sadd.s32 $0xFFFFE003, lr  }
0x1b: {  	s9 =	sadd.s32 $0xFFFFFEF7, lr;
	s5 =	simm.s32 $0xFFFFFFFF;
	p2 =	slt.u32 s8, $0xFFFFF086  }
0x1c: {  	p1 =	slt.u32 s9, $0xF7A;
	s5 =	simm.s32 @!p2 $0x0  }
0x1d: {  	s5 =	simm.s32 @p1 $0x1;
	p0 =	seq.s32 s7, s2  }
0x1e: {  	s7 =	smul.u32 @!p0 $0xF7A, s2;
	p2 =	seq.s32 @!p0 s5, $0x0  }
0x1f: {  	s9 =	smul.u32 $0xF7A, s1;
	s8 =	simm.s32 @!p0 $0x1BF5;
	p2 =	por !p2, p0  }
0x20: {  	[sflag:s8] =	ssyncset.s32 @!p0 $0xFFFFF086;
	s6 =	sadd.s32 @!p0 s3, s7;
	s7 =	simm.s32 @!p0 $0x108  }
0x21: {  	s3 =	sadd.s32 s3, s9;
	s6 =	sadd.s32 @!p0 $0x88, s6;
	s7 =	simm.s32 @p2 $0x1082  }
0x22: {  	[simem:s7], [sflag:s8] =	dma.local @!p0 [hbm:s6], $0xF7A  }
0x23: {  	s9 =	sor.u32 $0xD0000000, s2;
	s6 =	simm.s32 $0x108;
	_ =	swait.ge @!p0 [sflag:s8], $0x0  }
0x24: {  	s3 =	sadd.s32 $0x88, s3;
	s6 =	simm.s32 @!p1 $0x1082;
	[sflag:s4] =	ssyncset.s32 $0xFFFFF086  }
0x25: {  	[simem:s6], [sflag:s4] =	dma.local [hbm:s3], $0xF7A  }
0x26: {  	[smem:$0x3F9E] =	sst s1;
	(tag) =	ssettag s2;
	_ =	strace s9  }
0x27: {  	s1 =	sld [smem:$0x3FAE]  }
0x28: {  	s2 =	sld [smem:$0x3FAF]  }
0x29: {  	s4 =	sld [smem:$0x3FB1]  }
0x2a: {  	p0 =	seq.s32 s5, $0x0;
	s5 =	sld [smem:$0x3FB2]  }
0x2b: {  	s6 =	sld [smem:$0x3FB3]  }
0x2c: {  	s7 =	sld [smem:$0x3FB4]  }
0x2d: {  	s3 =	simm.s32 $0x108;
	s8 =	sld [smem:$0x3FB5]  }
0x2e: {  	s3 =	simm.s32 @!p0 $0x1082;
	s9 =	sld [smem:$0x3FB6]  }
0x2f: {  	lr =	sadd.s32 s0, s3;
	s0 =	sld [smem:$0x3FAD]  }
0x30: {  	s3 =	sld [smem:$0x3FB0]  }
0x31: {  	[smem:$0x3FB9] =	sst s10  }
0x32: {  	s10 =	sld [smem:$0x3FB7];
	_ =	sdelay $0x3  }
0x33: {  	p0 =	seq.s32 s10, $0x1;
	s10 =	sld [smem:$0x3FB9];
	_ =	sdelay $0x3  }
0x34: {  	[smem:$0x3FB9] =	sst s10  }
0x35: {  	s10 =	sld [smem:$0x3FB8];
	_ =	sdelay $0x3  }
0x36: {  	p1 =	seq.s32 s10, $0x1;
	s10 =	sld [smem:$0x3FB9];
	_ =	sdelay $0x3  }
0x37: {  	[smem:$0x3FB9] =	sst s10  }
0x38: {  	s10 =	sld [smem:$0x3FBA]  }
0x39: {  	_ = 	snop;
	(pc) =	sbr.ind lr, $3  }
0x3a: {  	_ = 	snop  }
0x3b: {  	_ = 	snop  }
0x3c: {  	p2 =	seq.s32 s10, $0x1;
	s10 =	sld [smem:$0x3FB9]  }
0x3d: {  	_ =	shalt  }
0x3e: {  	_ =	shalt  }
0x3f: {  	_ =	shalt  }
0x40: {  	_ =	shalt  }
0x41: {  	_ =	shalt  }
0x42: {  	_ =	shalt  }
0x43: {  	_ =	shalt  }
0x44: {  	_ =	shalt  }
0x45: {  	_ =	shalt  }
0x46: {  	_ =	shalt  }
0x47: {  	_ =	shalt  }
0x48: {  	_ =	shalt  }
0x49: {  	_ =	shalt  }
0x4a: {  	_ =	shalt  }
0x4b: {  	_ =	shalt  }
0x4c: {  	_ =	shalt  }
0x4d: {  	_ =	shalt  }
0x4e: {  	_ =	shalt  }
0x4f: {  	_ =	shalt  }
0x50: {  	_ =	shalt  }
0x51: {  	_ =	shalt  }
0x52: {  	_ =	shalt  }
0x53: {  	_ =	shalt  }
0x54: {  	_ =	shalt  }
0x55: {  	_ =	shalt  }
0x56: {  	_ =	shalt  }
0x57: {  	_ =	shalt  }
0x58: {  	_ =	shalt  }
0x59: {  	_ =	shalt  }
0x5a: {  	_ =	shalt  }
0x5b: {  	_ =	shalt  }
0x5c: {  	_ =	shalt  }
0x5d: {  	_ =	shalt  }
0x5e: {  	_ =	shalt  }
0x5f: {  	_ =	shalt  }
0x60: {  	_ =	shalt  }
0x61: {  	_ =	shalt  }
0x62: {  	_ =	shalt  }
0x63: {  	_ =	shalt  }
0x64: {  	_ =	shalt  }
0x65: {  	_ =	shalt  }
0x66: {  	_ =	shalt  }
0x67: {  	_ =	shalt  }
0x68: {  	_ =	shalt  }
0x69: {  	_ =	shalt  }
0x6a: {  	_ =	shalt  }
0x6b: {  	_ =	shalt  }
0x6c: {  	_ =	shalt  }
0x6d: {  	_ =	shalt  }
0x6e: {  	_ =	shalt  }
0x6f: {  	_ =	shalt  }
0x70: {  	_ =	shalt  }
0x71: {  	_ =	shalt  }
0x72: {  	_ =	shalt  }
0x73: {  	_ =	shalt  }
0x74: {  	_ =	shalt  }
0x75: {  	_ =	shalt  }
0x76: {  	_ =	shalt  }
0x77: {  	_ =	shalt  }
0x78: {  	_ =	shalt  }
0x79: {  	_ =	shalt  }
0x7a: {  	_ =	shalt  }
0x7b: {  	_ =	shalt  }
0x7c: {  	_ =	shalt  }
0x7d: {  	_ =	shalt  }
0x7e: {  	_ =	shalt  }
0x7f: {  	_ =	shalt  }
0x80: {  	_ =	shalt  }
0x81: {  	_ =	shalt  }
0x82: {  	_ =	shalt  }
0x83: {  	_ =	shalt  }
0x84: {  	_ =	shalt  }
0x85: {  	_ =	shalt  }
0x86: {  	_ =	shalt  }
0x87: {  	_ =	shalt  }
.Lfunc_end0:
.L_simem_size_0:
called_computation_lowered:
.L_overlay_start_0:
0x88: {  	s2 =	sld [smem:$0x3FD9]  }
0x89: {  	s3 =	sld [smem:$0x3FFE];
	_ =	sdelay $0x1  }
0x8a: {  	s1 =	srdreg.scid  }
0x8b: {  	s0 =	sand.u32 $0x1, s1  }
0x8c: {  	s31 =	sshll.u32 s0, $0xA;
	s2 =	sadd.s32 s3, s2  }
0x8d: {  	s2 =	sadd.s32 s2, s31  }
0x8e: {  	[smem:$0x3FC5] =	sst s2  }
0x8f: {  	_ = 	snop  }
0x90: {  	s6 =	sld [smem:$0x3FD0];
	_ =	sdelay $0x1  }
0x91: {  	s4 =	sld [smem:$0x3FC8]  }
0x92: {  	s7 =	simm.s32 $0xA;
	s8 =	simm.s32 $0x10;
	s5 =	sld [smem:$0x3FC7]  }
0x93: {  	[smem:s8], [sflag:s7] =	dma.local [hbm:s6], $0x1  }
0x94: {  	_ =	swait.eq [sflag:s7], $0x1  }
0x95: {  	s9 =	sld [smem:$0x10]  }
0x96: {  	s3 =	sld [smem:$0x11]  }
0x97: {  	s29 =	sld [smem:$0x12]  }
0x98: {  	s10 =	sld [smem:$0x14]  }
0x99: {  	s11 =	sld [smem:$0x15];
	[sflag:s7] =	ssyncset.done $0x0  }
0x9a: {  	s12 =	sld [smem:$0x16];
	[sflag:s7] =	ssyncadd.s32 $0xFFFFFFFF  }
0x9b: {  	s6 =	sadd.s32 $0x1, s6;
	s13 =	sld [smem:$0x17]  }
0x9c: {  	[smem:s8], [sflag:s7] =	dma.local [hbm:s6], $0x1  }
0x9d: {  	_ =	swait.eq [sflag:s7], $0x1  }
0x9e: {  	[sflag:s7] =	ssyncset.done $0x0  }
0x9f: {  	s30 =	sld [smem:$0x10];
	[sflag:s7] =	ssyncadd.s32 $0xFFFFFFFF  }
0xa0: {  	s31 =	sld [smem:$0x11];
	(tm) =	ssettm $0x1  }
0xa1: {  	s18 =	sld [smem:$0x3FFB];
	_ =	sdelay $0x3  }
0xa2: {  	_ =	strace s18  }
0xa3: {  	s8 =	sld [smem:$0x3FFC];
	_ =	sdelay $0x3  }
0xa4: {  	_ =	strace s8  }
0xa5: {  	s8 =	sld [smem:$0x3FFD];
	_ =	sdelay $0x3  }
0xa6: {  	_ =	strace s8  }
0xa7: {  	_ =	strace $0x8FFFFFFF  }
0xa8: {  	s19 =	sld [smem:$0x3FDB];
	_ =	sdelay $0x1  }
0xa9: {  	s14 =	simm.s32 $_scs_section_size  }
0xaa: {  	s15 =	simm.s32 $_size__tile_overlayer_lowered;
	s16 =	simm.s32 $_tile_overlayer_lowered  }
0xab: {  	s22 =	simm.s32 $0x1BFF;
	s21 =	sshll.u32 s16, $0x1;
	s8 =	sadd.s32 s14, s19  }
0xac: {  	s17 =	simm.s32 $0x0;
	s20 =	sshll.u32 s15, $0x1;
	s15 =	sadd.s32 s21, s8  }
0xad: {  	[timem:s17], [sflag:s22] =	dma.local [hbm:s15], s20  }
0xae: {  	_ =	swait.ge [sflag:s22], s20  }
0xaf: {  	s14 =	ssub.s32 $0x0, s20;
	[sflag:s22] =	ssyncset.done $0x0  }
0xb0: {  	[sflag:s22] =	ssyncadd.s32 s14;
	_ =	sdelay $0x1  }
0xb1: {  	s23 =	simm.s32 $0x1B8B  }
0xb2: {  	_ =	swait.ge [sflag:s23], $0x1  }
0xb3: {  	[sflag:s23] =	ssyncset.done $0x0  }
0xb4: {  	s25 =	simm.s32 $0x1B8E;
	s24 =	sld [smem:$0x3FFE];
	[sflag:s23] =	ssyncadd.s32 $0xFFFFFFFF  }
0xb5: {  	s26 =	simm.s32 $execute0_lowered;
	[smem:$0x3FD2] =	sst s25  }
0xb6: {  	s15 =	sshll.u32 s26, $0x1;
	_ =	strace $0x80000046;
	[dreg:$0x1] =	wrdreg $0xFFFFFFFF  }
0xb7: {  	s28 =	simm.s32 $_size_execute0_lowered;
	s8 =	sadd.s32 s8, s15;
	[dreg:$0x0] =	wrdreg $0x0  }
0xb8: {  	s15 =	sshll.u32 s28, $0x1;
	[dreg:$0x2] =	wrdreg s8  }
0xb9: {  	[dreg:$0x3] =	wrdreg s15  }
0xba: {  	[dreg:$0x4] =	wrdreg $0xC0  }
0xbb: {  	_ =	task [dreg:s17], $0x5FFFF  }
0xbc: {  	[dreg:$0x1] =	wrdreg $0xFFFFFFFF  }
0xbd: {  	[dreg:$0x0] =	wrdreg $0x60  }
0xbe: {  	[dreg:$0x2] =	wrdreg s9  }
0xbf: {  	[dreg:$0x3] =	wrdreg s4  }
0xc0: {  	[dreg:$0x4] =	wrdreg s5  }
0xc1: {  	[dreg:$0x5] =	wrdreg s11  }
0xc2: {  	[dreg:$0x6] =	wrdreg s10  }
0xc3: {  	[dreg:$0x7] =	wrdreg s24  }
0xc4: {  	[dreg:$0x8] =	wrdreg s12  }
0xc5: {  	[dreg:$0x9] =	wrdreg s13  }
0xc6: {  	[dreg:$0xa] =	wrdreg s30  }
0xc7: {  	[dreg:$0xb] =	wrdreg s31  }
0xc8: {  	[dreg:$0xc] =	wrdreg s3  }
0xc9: {  	[dreg:$0xd] =	wrdreg s29  }
0xca: {  	[dreg:$0xe] =	wrdreg $0x9  }
0xcb: {  	_ =	task.clear_ibuf [dreg:s17], $0xFFFFF;
	_ =	strace $0x90000046  }
0xcc: {  	s29 =	simm.s32 $0x9;
	_ =	strace $0x80000048  }
0xcd: {  	_ =	swait.ge [sflag:s29], $0x1  }
0xce: {  	[sflag:s29] =	ssyncadd.s32 $0xFFFFFFFF  }
0xcf: {  	_ =	strace $0x90000048  }
0xd0: {  	_ =	sfence  }
0xd1: {  	s30 =	sld [smem:$0x0];
	_ =	sdelay $0x2  }
0xd2: {  	s31 =	sshll.u32 s1, $0xD;
	s1 =	sshrl.u32 s1, $0x2  }
0xd3: {  	s3 =	sand.u32 $0x4000, s31;
	s1 =	sadd.s32 s1, s30  }
0xd4: {  	s0 =	sor.u32 s3, s0;
	s1 =	sshll.u32 s1, $0x11  }
0xd5: {  	s0 =	sor.u32 s1, s0  }
0xd6: {  	s0 =	sadd.s32 $0x8F2B, s0  }
0xd7: {  	[sflag:s0] =	ssyncadd.remote.s32 $0x1  }
0xd8: {  	_ =	sfence.sel $0xFFFF  }
0xd9: {  	[dreg:$0x0] =	wrdreg $0xFFFFFFFF;
	(pc) =	sbr.abs _section_cstart, $3  }
0xda: {  	[dreg:$0x1] =	wrdreg $0xFFFFFFFF  }
0xdb: {  	_ =	task.clear_ibuf [dreg:s17], $0x2FFFF;
	_ =	strace $0x9FFFFFFF  }
0xdc: {  	(tm) =	ssettm $0x7FFFFFFF  }
0xdd: {  	_ =	shalt  }
tec
execute0_lowered:
.L_overlay_start_1:
0x0: {  	(tag) =	ssettag $0x1  }
0x1: {  	s1 =	rddreg [dreg:$0x3]  }
0x2: {  	s3 =	rddreg [dreg:$0x4]  }
0x3: {  	v0 =	vimm.s32 $0x21043213;
	s9 =	rddreg [dreg:$0x5]  }
0x4: {  	v1 =	vimm.s32 $0x4321040;
	v2 =	vimm.s32 $0x32104324;
	vm1 =	vcmask $0x2304;
	s0 =	rddreg [dreg:$0x6]  }
0x5: {  	vm0 =	vcmask $0x3F24;
	v3 =	vimm.s32 $0x43210430;
	s2 =	rddreg [dreg:$0x7];
	v4 =	vimm.s32 $0x4321041  }
0x6: {  	v5 =	vimm.s32 $0x21043210;
	v6 =	vimm.s32 $0x32104320;
	v7 =	vimm.s32 $0x10432102;
	s4 =	srdreg.scid;
	s11 =	stileid.u32  }
0x7: {  	s5 =	rddreg [dreg:$0x8];
	vm2 =	vcmask $0x130C;
	vm3 =	vcmask $0x73C;
	vm4 =	vcmask $0x2B28;
	s10 =	sand.u32 $0x1, s4;
	s11 =	sshll.u32 s11, $0x1  }
0x8: {  	s6 =	rddreg [dreg:$0x9];
	vm5 =	vcmask $0x1710;
	vm6 =	vcmask $0x338;
	v0 =	vunpack.c.l.s4.s8 v0;
	s12 =	ssub.s32 $0x2, s10;
	s10 =	sor.u32 s10, s11  }
0x9: {  	s7 =	rddreg [dreg:$0xa];
	v1 =	vunpack.c.l.s4.s8 v1;
	v2 =	vunpack.c.l.s4.s8 v2;
	v3 =	vunpack.c.l.s4.s8 v3;
	s13 =	smul.u32 $0x13F6, s10  }
0xa: {  	s8 =	rddreg [dreg:$0xb];
	v4 =	vunpack.c.l.s4.s8 v4;
	v6 =	vunpack.c.l.s4.s8 v6;
	s4 =	simm.s32 $0x0;
	v0 =	vunpack.c.0.s8.s32 v0  }
0xb: {  	s9 =	sadd.s32 $0x1A00, s9;
	[smem:$0x7FF] =	sst s4;
	v1 =	vunpack.c.0.s8.s32 v1;
	v2 =	vunpack.c.0.s8.s32 v2;
	v8 =	vunpack.c.0.s8.s32 v3;
	s14 =	sadd.s32 s1, s13  }
0xc: {  	v3 =	vunpack.c.0.s8.s32 v4;
	v4 =	vunpack.c.l.s4.s8 v7;
	s21 =	smul.u32 $0x3FE, s10;
	v0 =	vnsel vm1, $0x0, v0;
	s22 =	sadd.s32 s3, s13;
	[dreg:$0xd] =	wrdreg s14  }
0xd: {  	s13 =	sadd.s32 s9, s13;
	v0 =	vsel vm0, v1, v0;
	v1 =	vnsel vm1, $0x1, v2;
	v2 =	vimm.s32 $0x10432100;
	[dreg:$0xe] =	wrdreg s22  }
0xe: {  	vm7 =	vcmask $0x1F10;
	v5 =	vunpack.c.l.s4.s8 v5;
	s24 =	sadd.s32 s0, s21;
	[dreg:$0xf] =	wrdreg s13;
	v2 =	vunpack.c.l.s4.s8 v2  }
0xf: {  	vm8 =	vcmask $0xB38;
	v6 =	vunpack.c.0.s8.s32 v6;
	s20 =	sshrl.u32 s12, $0x1;
	v4 =	vunpack.c.0.s8.s32 v4;
	s15 =	sadd.s32 s2, s21;
	[dreg:$0x10] =	wrdreg s24  }
0x10: {  	v5 =	vunpack.c.0.s8.s32 v5;
	s23 =	sshllo.u32 s10, $0x1;
	v3 =	vnsel vm1, $0x3, v3;
	s26 =	sadd.s32 s5, s21;
	[dreg:$0x11] =	wrdreg s15;
	v2 =	vunpack.c.0.s8.s32 v2  }
0x11: {  	s11 =	ssub.s32 s12, s20;
	v7 =	vnsel vm1, $0x2, v8;
	s16 =	sadd.s32 s6, s21;
	v3 =	vsel vm0, v6, v3;
	[dreg:$0x12] =	wrdreg s26;
	v4 =	vnsel vm1, $0x4, v4  }
0x12: {  	s25 =	smul.u32 $0x9FB, s23;
	s20 =	sadd.s32 s7, s21;
	[dreg:$0x13] =	wrdreg s16;
	vm1 =	vcmask $0x2720;
	v4 =	vsel vm0, v8, v4;
	v1 =	vsel vm0, v2, v1  }
0x13: {  	s21 =	sadd.s32 s8, s21;
	[dreg:$0x17] =	wrdreg s20;
	v2 =	vsel vm0, v5, v7;
	vm0 =	vmor vm2, vm1;
	vm1 =	vcmask $0x3B34  }
0x14: {  	s1 =	sadd.s32 s1, s25;
	[dreg:$0x18] =	wrdreg s21;
	vm2 =	vcmask $0x33C;
	vm0 =	vmor vm0, vm1;
	vm1 =	vcmask $0x1714  }
0x15: {  	vm5 =	vmor vm6, vm5;
	s18 =	smul.u32 $0x1FF, s23;
	s17 =	sadd.s32 s3, s25;
	[dreg:$0x14] =	wrdreg s1;
	vm1 =	vmor vm2, vm1;
	vm2 =	vcmask $0x1B14  }
0x16: {  	s19 =	sadd.s32 s9, s25;
	[dreg:$0x15] =	wrdreg s17;
	vm2 =	vmor vm3, vm2;
	vm3 =	vcmask $0x2F28;
	vm1 =	vmor vm1, vm4  }
0x17: {  	s28 =	simm.s32 $0x1;
	s0 =	sadd.s32 s0, s18;
	[dreg:$0x16] =	wrdreg s19;
	vm4 =	vcmask $0xF3C;
	vm2 =	vmor vm2, vm3;
	vm3 =	vcmask $0x2314  }
0x18: {  	s29 =	simm.s32 $0xA80;
	vm6 =	vcmask $0x2B24;
	s22 =	sadd.s32 s2, s18;
	[dreg:$0x19] =	wrdreg s0;
	vm3 =	vmor vm4, vm3;
	vm4 =	vcmask $0x3728  }
0x19: {  	s30 =	simm.s32 $0xD00;
	s23 =	sadd.s32 s5, s18;
	[dreg:$0x1a] =	wrdreg s22;
	vm3 =	vmor vm3, vm4;
	vm4 =	vmor vm5, vm6;
	vm5 =	vmor vm8, vm7  }
0x1a: {  	s31 =	simm.s32 $0xF80;
	s24 =	sadd.s32 s6, s18;
	[dreg:$0x1b] =	wrdreg s23;
	vm6 =	vcmask $0x3324;
	vm7 =	vcmask $0x1B0C;
	vm8 =	vcmask $0x734  }
0x1b: {  	s25 =	sadd.s32 s7, s18;
	s26 =	sadd.s32 s8, s18;
	[dreg:$0x1c] =	wrdreg s24;
	vm5 =	vmor vm5, vm6;
	vm6 =	vmor vm8, vm7;
	vm7 =	vcmask $0x2F20  }
0x1c: {  	s20 =	simm.s32 $0x5F80;
	s3 =	simm.s32 $0xAF80;
	[dreg:$0x1d] =	wrdreg s25;
	vm8 =	vcmask $0x330;
	vm6 =	vmor vm6, vm7;
	vm7 =	vcmask $0x1708  }
0x1d: {  	v6 =	vimm.s32 $0x5;
	[dreg:$0x1e] =	wrdreg s26;
	s24 =	sshll.u32 s10, $0x4;
	s25 =	smax.u32 s11, $0x1;
	vm7 =	vmor vm8, vm7;
	vm8 =	vcmask $0x2B1C  }
0x1e: {  	s0 =	simm.s32 $0x0;
	_ =	strace $0x80000047;
	s26 =	sor.u32 $0x8, s24;
	v5 =	vlaneseq.u32;
	v7 =	vimm.s32 $0x0;
	vm7 =	vmor vm7, vm8  }
.LBB2_1:
0x1f: {  	s1 =	rddreg [dreg:$0x0]  }
0x20: {  	[tilespmem:s4], [sflag:$0x1] =	stream.linear.gather [hbm4b:s1+s4], $0xA00, $0x38;
	[tilespmem:$0x15F80] =	vst v63  }
0x21: {  	_ =	swait.ge [sflag:s28], $0xA00  }
0x22: {  	[sflag:s28] =	ssyncset.done $0x0  }
0x23: {  	[sflag:s28] =	ssyncadd.s32 $0xFFFFF600  }
0x24: {  	s22 =	rddreg [dreg:$0x1]  }
0x25: {  	[tilespmem:s29], [sflag:$0x1] =	stream.linear.gather [hbm4b:s22+s4], $0x200, $0x38;
	[tilespmem:$0x15F80] =	vst v63  }
0x26: {  	_ =	swait.ge [sflag:s28], $0x200  }
0x27: {  	[sflag:s28] =	ssyncset.done $0x0  }
0x28: {  	s2 =	simm.s32 $0xAFA0;
	s5 =	simm.s32 $0x5FA0;
	[sflag:s28] =	ssyncadd.s32 $0xFFFFFE00  }
0x29: {  	s6 =	simm.s32 $0x11F80;
	s7 =	simm.s32 $0xFF80;
	s23 =	rddreg [dreg:$0x2]  }
0x2a: {  	[tilespmem:s30], [sflag:$0x1] =	stream.linear.gather [hbm4b:s23+s4], $0x200, $0x38;
	[tilespmem:$0x15F80] =	vst v63  }
0x2b: {  	s8 =	simm.s32 $0x13F80;
	s9 =	simm.s32 $0x14F80;
	_ =	swait.ge [sflag:s28], $0x200  }
0x2c: {  	s10 =	simm.s32 $0x12F80;
	s11 =	simm.s32 $0x10F80;
	[sflag:s28] =	ssyncset.done $0x0  }
0x2d: {  	s12 =	simm.s32 $0x0;
	s1 =	simm.s32 $0xFA0;
	[sflag:s28] =	ssyncadd.s32 $0xFFFFFE00  }
.LBB2_2:
0x2e: {  	s13 =	sor.u32 s24, s12  }
0x2f: {  	s14 =	smul.u32 $0x5, s13  }
0x30: {  	s15 =	simm.s32 $0x0  }
0x31: {  	v8 =	vor.u32 s15, v5;
	v11 =	vmov s14  }
0x32: {  	v9 =	vadd.s32 s14, v0;
	vm8 =	vlt.u32 v8, v11  }
0x33: {  	v12 =	vsel vm8, $0x0, v6  }
0x34: {  	v12 =	vadd.s32 v8, v12  }
0x35: {  	v10 =	vadd.s32 s14, v1  }
0x36: {  	v13 =	vadd.s32 s14, v2  }
0x37: {  	v16 =	vld.idx.msk [tilespmem:v9+s4+$0x0], $0xffff;
	v9 =	vadd.s32 s14, v4  }
0x38: {  	v17 =	vadd.s32 s14, v3;
	v8 =	vmov s13;
	s13 =	simm.s32 $0x0  }
0x39: {  	s18 =	simm.s32 $0x10;
	v18 =	vld.idx.msk [tilespmem:v12+s13+$0x0], $0xffff  }
0x3a: {  	v19 =	vor.u32 s18, v5;
	v15 =	vld.idx.msk [tilespmem:v10+s4+$0x0], $0xffff  }
0x3b: {  	vm8 =	vlt.u32 v19, v11;
	v14 =	vld.idx.msk [tilespmem:v13+s4+$0x0], $0xffff  }
0x3c: {  	v12 =	vld.idx.msk [tilespmem:v9+s4+$0x0], $0xffff;
	v9 =	vsel vm8, $0x0, v6  }
0x3d: {  	v13 =	vld.idx.msk [tilespmem:v17+s4+$0x0], $0xffff;
	v17 =	vadd.s32 v19, v9  }
0x3e: {  	v10 =	vld.idx.msk [tilespmem:v8+s29+$0x0], $0xffff;
	v19 =	vmin.f32 v18, v16;
	v20 =	vmax.f32 v18, v16  }
0x3f: {  	v9 =	vld.idx.msk [tilespmem:v8+s30+$0x0], $0xffff;
	[tilespmem:s5+$0xFFFFFFE0] =	vst v18;
	v18 =	vsel vm0, v20, v19  }
0x40: {  	[tilespmem:s1+$0xFFFFFFE0] =	vst v16;
	v18 =	vsel vm1, v16, v18  }
0x41: {  	[tilespmem:s2+$0xFFFFFFE0] =	vst v18  }
0x42: {  	s19 =	simm.s32 $0x20;
	v17 =	vld.idx.msk [tilespmem:v17+s13+$0x0], $0xffff  }
0x43: {  	v18 =	vor.u32 s19, v5  }
0x44: {  	vm8 =	vlt.u32 v18, v11  }
0x45: {  	v19 =	vsel vm8, $0x0, v6  }
0x46: {  	v18 =	vadd.s32 v18, v19  }
0x47: {  	v19 =	vmin.f32 v17, v15;
	v20 =	vmax.f32 v17, v15  }
0x48: {  	[tilespmem:s5+$0xFFFFFFF0] =	vst v17;
	v17 =	vsel vm2, v19, v20  }
0x49: {  	[tilespmem:s1+$0xFFFFFFF0] =	vst v15;
	v17 =	vsel vm3, v17, v15  }
0x4a: {  	[tilespmem:s2+$0xFFFFFFF0] =	vst v17  }
0x4b: {  	s21 =	simm.s32 $0x30;
	v17 =	vld.idx.msk [tilespmem:v18+s13+$0x0], $0xffff  }
0x4c: {  	v18 =	vor.u32 s21, v5  }
0x4d: {  	vm8 =	vlt.u32 v18, v11  }
0x4e: {  	v19 =	vsel vm8, $0x0, v6  }
0x4f: {  	v18 =	vadd.s32 v18, v19  }
0x50: {  	v19 =	vmin.f32 v17, v14;
	v20 =	vmax.f32 v17, v14  }
0x51: {  	[tilespmem:s5+$0x0] =	vst v17;
	v17 =	vsel vm4, v19, v20  }
0x52: {  	[tilespmem:s1+$0x0] =	vst v14;
	v17 =	vsel vm5, v17, v14  }
0x53: {  	[tilespmem:s2+$0x0] =	vst v17  }
0x54: {  	s22 =	simm.s32 $0x40;
	v17 =	vld.idx.msk [tilespmem:v18+s13+$0x0], $0xffff  }
0x55: {  	v18 =	vor.u32 s22, v5  }
0x56: {  	vm8 =	vlt.u32 v18, v11  }
0x57: {  	v19 =	vsel vm8, $0x0, v6  }
0x58: {  	v18 =	vadd.s32 v18, v19  }
0x59: {  	v19 =	vmin.f32 v17, v13;
	v20 =	vmax.f32 v17, v13  }
0x5a: {  	[tilespmem:s5+$0x10] =	vst v17;
	v17 =	vsel vm2, v20, v19  }
0x5b: {  	[tilespmem:s1+$0x10] =	vst v13;
	v17 =	vsel vm6, v17, v13  }
0x5c: {  	[tilespmem:s2+$0x10] =	vst v17  }
0x5d: {  	v17 =	vld.idx.msk [tilespmem:v18+s13+$0x0], $0xffff;
	_ =	sdelay $0x1  }
0x5e: {  	s23 =	simm.s32 $0x50  }
0x5f: {  	v18 =	vor.u32 s23, v5  }
0x60: {  	vm8 =	vlt.u32 v18, v11  }
0x61: {  	v19 =	vmin.f32 v17, v12;
	v20 =	vmax.f32 v17, v12;
	[tilespmem:s5+$0x20] =	vst v17;
	v17 =	vsel vm8, $0x0, v6  }
0x62: {  	s17 =	simm.s32 $0x90;
	v17 =	vadd.s32 v18, v17  }
0x63: {  	s16 =	simm.s32 $0x0;
	s15 =	sadd.s32 $0x50, s5;
	s18 =	smov.u32 s1;
	v19 =	vsel vm4, v20, v19  }
0x64: {  	s14 =	sadd.s32 $0x50, s2;
	s19 =	smov.u32 s2;
	s23 =	simm.s32 $0xE0;
	[tilespmem:s1+$0x20] =	vst v12;
	v18 =	vsel vm7, v19, v12  }
.LBB2_3:
0x65: {  	s18 =	sadd.s32 $0x50, s18  }
0x66: {  	[tilespmem:s19+$0x20] =	vst v18;
	s22 =	smov.u32 s23;
	s21 =	sadd.s32 $0x50, s23;
	s19 =	smov.u32 s14  }
0x67: {  	p0 =	sne.s32 s23, $0x9F0;
	v17 =	vld.idx.msk [tilespmem:v17+s16+$0x0], $0xffff  }
0x68: {  	s23 =	sadd.s32 $0xFFFFFFD0, s17  }
0x69: {  	v18 =	vor.u32 s23, v5  }
0x6a: {  	vm8 =	vlt.u32 v18, v11  }
0x6b: {  	v19 =	vsel vm8, $0x0, v6  }
0x6c: {  	v18 =	vadd.s32 v18, v19  }
0x6d: {  	v19 =	vmin.f32 v17, v16;
	v20 =	vmax.f32 v17, v16  }
0x6e: {  	[tilespmem:s15+$0xFFFFFFE0] =	vst v17;
	v17 =	vsel vm0, v20, v19  }
0x6f: {  	[tilespmem:s18+$0xFFFFFFE0] =	vst v16;
	v17 =	vsel vm1, v16, v17  }
0x70: {  	[tilespmem:s14+$0xFFFFFFE0] =	vst v17  }
0x71: {  	v17 =	vld.idx.msk [tilespmem:v18+s16+$0x0], $0xffff  }
0x72: {  	s23 =	sadd.s32 $0xFFFFFFE0, s17  }
0x73: {  	v18 =	vor.u32 s23, v5  }
0x74: {  	vm8 =	vlt.u32 v18, v11  }
0x75: {  	v19 =	vsel vm8, $0x0, v6  }
0x76: {  	v18 =	vadd.s32 v18, v19  }
0x77: {  	v19 =	vmin.f32 v17, v15;
	v20 =	vmax.f32 v17, v15  }
0x78: {  	[tilespmem:s15+$0xFFFFFFF0] =	vst v17;
	v17 =	vsel vm2, v19, v20  }
0x79: {  	[tilespmem:s18+$0xFFFFFFF0] =	vst v15;
	v17 =	vsel vm3, v17, v15  }
0x7a: {  	[tilespmem:s14+$0xFFFFFFF0] =	vst v17  }
0x7b: {  	v17 =	vld.idx.msk [tilespmem:v18+s16+$0x0], $0xffff  }
0x7c: {  	s23 =	sadd.s32 $0xFFFFFFF0, s17  }
0x7d: {  	v18 =	vor.u32 s23, v5  }
0x7e: {  	vm8 =	vlt.u32 v18, v11  }
0x7f: {  	v19 =	vsel vm8, $0x0, v6  }
0x80: {  	v18 =	vadd.s32 v18, v19  }
0x81: {  	v19 =	vmin.f32 v17, v14;
	[tilespmem:s15+$0x0] =	vst v17;
	v17 =	vmax.f32 v17, v14  }
0x82: {  	[tilespmem:s18+$0x0] =	vst v14;
	v17 =	vsel vm4, v19, v17  }
0x83: {  	v17 =	vsel vm5, v17, v14  }
0x84: {  	[tilespmem:s14+$0x0] =	vst v17  }
0x85: {  	v17 =	vld.idx.msk [tilespmem:v18+s16+$0x0], $0xffff;
	_ =	sdelay $0x1  }
0x86: {  	v18 =	vor.u32 s17, v5;
	s17 =	smov.u32 s22  }
0x87: {  	vm8 =	vlt.u32 v18, v11  }
0x88: {  	v19 =	vsel vm8, $0x0, v6  }
0x89: {  	v18 =	vadd.s32 v18, v19  }
0x8a: {  	v19 =	vmin.f32 v17, v13;
	[tilespmem:s15+$0x10] =	vst v17;
	v17 =	vmax.f32 v17, v13  }
0x8b: {  	[tilespmem:s18+$0x10] =	vst v13;
	v17 =	vsel vm2, v17, v19  }
0x8c: {  	v17 =	vsel vm6, v17, v13  }
0x8d: {  	[tilespmem:s14+$0x10] =	vst v17  }
0x8e: {  	v18 =	vld.idx.msk [tilespmem:v18+s16+$0x0], $0xffff;
	s16 =	smov.u32 s13  }
0x8f: {  	s22 =	sadd.s32 $0xFFFFFFC0, s17  }
0x90: {  	v17 =	vor.u32 s22, v5  }
0x91: {  	vm8 =	vlt.u32 v17, v11  }
.Ltmp0:
0x92: {  	v19 =	vsel vm8, $0x0, v6;
	(pc) =	sbr.rel @p0 .LBB2_3-.Ltmp0, $4  }
0x93: {  	v17 =	vadd.s32 v17, v19  }
0x94: {  	v19 =	vmin.f32 v18, v12;
	[tilespmem:s15+$0x20] =	vst v18;
	v18 =	vmax.f32 v18, v12  }
0x95: {  	[tilespmem:s18+$0x20] =	vst v12;
	v18 =	vsel vm4, v18, v19  }
0x96: {  	s23 =	smov.u32 s21;
	s14 =	sadd.s32 $0x50, s14;
	s15 =	sadd.s32 $0x50, s15;
	v18 =	vsel vm7, v18, v12  }
0x97: {  	_ =	sdelay $0x2  }
0x98: {  	[tilespmem:s19+$0x20] =	vst v18  }
0x99: {  	s21 =	sadd.s32 $0xFFFFFFD0, s17;
	v17 =	vld.idx.msk [tilespmem:v17+s16+$0x0], $0xffff  }
0x9a: {  	v51 =	vor.u32 s21, v5  }
0x9b: {  	vm8 =	vlt.u32 v51, v11  }
0x9c: {  	v19 =	vsel vm8, $0x0, v6  }
0x9d: {  	v18 =	vadd.s32 v51, v19  }
0x9e: {  	v52 =	vmin.f32 v17, v16;
	v20 =	vmax.f32 v17, v16  }
0x9f: {  	s18 =	sadd.s32 $0x50, s18;
	[tilespmem:s15+$0xFFFFFFE0] =	vst v17;
	v53 =	vsel vm0, v20, v52  }
0xa0: {  	[tilespmem:s18+$0xFFFFFFE0] =	vst v16;
	v54 =	vsel vm1, v16, v53  }
0xa1: {  	[tilespmem:s14+$0xFFFFFFE0] =	vst v54  }
0xa2: {  	s22 =	sadd.s32 $0xFFFFFFE0, s17;
	v16 =	vld.idx.msk [tilespmem:v18+s16+$0x0], $0xffff  }
0xa3: {  	v55 =	vor.u32 s22, v5  }
0xa4: {  	vm8 =	vlt.u32 v55, v11  }
0xa5: {  	v56 =	vsel vm8, $0x0, v6  }
0xa6: {  	v17 =	vadd.s32 v55, v56  }
0xa7: {  	v57 =	vmin.f32 v16, v15;
	v58 =	vmax.f32 v16, v15  }
0xa8: {  	[tilespmem:s15+$0xFFFFFFF0] =	vst v16;
	v59 =	vsel vm2, v57, v58  }
0xa9: {  	[tilespmem:s18+$0xFFFFFFF0] =	vst v15;
	v15 =	vsel vm3, v59, v15  }
0xaa: {  	[tilespmem:s14+$0xFFFFFFF0] =	vst v15  }
0xab: {  	s23 =	sadd.s32 $0xFFFFFFF0, s17;
	v15 =	vld.idx.msk [tilespmem:v17+s16+$0x0], $0xffff  }
0xac: {  	v60 =	vor.u32 s23, v5  }
0xad: {  	vm8 =	vlt.u32 v60, v11  }
0xae: {  	v61 =	vsel vm8, $0x0, v6  }
0xaf: {  	v16 =	vadd.s32 v60, v61  }
0xb0: {  	v62 =	vmin.f32 v15, v14;
	v63 =	vmax.f32 v15, v14  }
0xb1: {  	[tilespmem:s15+$0x0] =	vst v15;
	v15 =	vsel vm4, v62, v63  }
0xb2: {  	[tilespmem:s18+$0x0] =	vst v14;
	v14 =	vsel vm5, v15, v14  }
0xb3: {  	[tilespmem:s14+$0x0] =	vst v14  }
0xb4: {  	v14 =	vld.idx.msk [tilespmem:v16+s16+$0x0], $0xffff  }
0xb5: {  	v15 =	vor.u32 s17, v5  }
0xb6: {  	vm8 =	vlt.u32 v15, v11  }
0xb7: {  	v11 =	vsel vm8, $0x0, v6  }
0xb8: {  	v11 =	vadd.s32 v15, v11  }
0xb9: {  	v15 =	vmin.f32 v14, v13;
	v16 =	vmax.f32 v14, v13  }
0xba: {  	[tilespmem:s15+$0x10] =	vst v14;
	v14 =	vsel vm2, v16, v15  }
0xbb: {  	[tilespmem:s18+$0x10] =	vst v13;
	v13 =	vsel vm6, v14, v13  }
0xbc: {  	[tilespmem:s14+$0x10] =	vst v13  }
0xbd: {  	v11 =	vld.idx.msk [tilespmem:v11+s16+$0x0], $0xffff  }
0xbe: {  	v13 =	vor.u32 s13, v5  }
0xbf: {  	vm8 =	vge.u32 v13, v8  }
0xc0: {  	v14 =	vsel vm8, $0x1, v7  }
0xc1: {  	v13 =	vadd.s32 v14, v13  }
0xc2: {  	v14 =	vmin.f32 v11, v12;
	v15 =	vmax.f32 v11, v12  }
0xc3: {  	[tilespmem:s15+$0x20] =	vst v11;
	v11 =	vsel vm4, v15, v14  }
0xc4: {  	[tilespmem:s18+$0x20] =	vst v12;
	v11 =	vsel vm7, v11, v12  }
0xc5: {  	[tilespmem:s14+$0x20] =	vst v11  }
0xc6: {  	v11 =	vld.idx.msk [tilespmem:v13+s29+$0x0], $0xffff;
	_ =	sdelay $0x3  }
0xc7: {  	s18 =	sadd.s32 $0x0, s11  }
0xc8: {  	[tilespmem:s18+$0x0] =	vst v11  }
0xc9: {  	v11 =	vld.idx.msk [tilespmem:v13+s30+$0x0], $0xffff;
	_ =	sdelay $0x1  }
0xca: {  	s13 =	simm.s32 $0x10  }
0xcb: {  	v12 =	vor.u32 s13, v5  }
0xcc: {  	s19 =	sadd.s32 $0x0, s10;
	vm8 =	vge.u32 v12, v8  }
0xcd: {  	[tilespmem:s19+$0x0] =	vst v11;
	v11 =	vsel vm8, $0x1, v7  }
0xce: {  	s21 =	sadd.s32 $0x0, s9;
	v12 =	vadd.s32 v11, v12  }
0xcf: {  	s22 =	sadd.s32 $0x0, s8;
	[tilespmem:s21+$0x0] =	vst v13  }
0xd0: {  	s23 =	sadd.s32 $0x0, s7;
	[tilespmem:s22+$0x0] =	vst v8  }
0xd1: {  	s16 =	sadd.s32 $0x0, s6;
	s15 =	simm.s32 $0x80;
	s14 =	simm.s32 $0x40;
	[tilespmem:s23+$0x0] =	vst v10;
	v11 =	vmov v12  }
.LBB2_5:
0xd2: {  	p0 =	sne.s32 s15, $0x7C0;
	[tilespmem:s16+$0x0] =	vst v9;
	s16 =	smov.u32 s15;
	s15 =	sadd.s32 $0x40, s15  }
0xd3: {  	v12 =	vld.idx.msk [tilespmem:v12+s29+$0x0], $0xffff;
	_ =	sdelay $0x3  }
0xd4: {  	s17 =	sshra.s32 s14, $0x2;
	s14 =	smov.u32 s16  }
0xd5: {  	s16 =	sadd.s32 s17, s11  }
0xd6: {  	[tilespmem:s16+$0x0] =	vst v12  }
0xd7: {  	v13 =	vld.idx.msk [tilespmem:v11+s30+$0x0], $0xffff;
	_ =	sdelay $0x1  }
0xd8: {  	s13 =	sadd.s32 $0x10, s13  }
0xd9: {  	v12 =	vor.u32 s13, v5  }
0xda: {  	vm8 =	vge.u32 v12, v8  }
.Ltmp1:
0xdb: {  	s16 =	sadd.s32 s17, s10;
	v14 =	vsel vm8, $0x1, v7;
	(pc) =	sbr.rel @p0 .LBB2_5-.Ltmp1, $4  }
0xdc: {  	v12 =	vadd.s32 v14, v12;
	[tilespmem:s16+$0x0] =	vst v13;
	s16 =	sadd.s32 s17, s9  }
0xdd: {  	[tilespmem:s16+$0x0] =	vst v11;
	s16 =	sadd.s32 s17, s8;
	v11 =	vmov v12  }
0xde: {  	[tilespmem:s16+$0x0] =	vst v8;
	s16 =	sadd.s32 s17, s7  }
0xdf: {  	[tilespmem:s16+$0x0] =	vst v10;
	s16 =	sadd.s32 s17, s6  }
0xe0: {  	_ =	sdelay $0x2  }
0xe1: {  	[tilespmem:s16+$0x0] =	vst v9  }
0xe2: {  	v12 =	vld.idx.msk [tilespmem:v12+s29+$0x0], $0xffff;
	_ =	sdelay $0x2  }
0xe3: {  	s13 =	sshra.s32 s14, $0x2  }
0xe4: {  	s14 =	sadd.s32 s13, s11  }
0xe5: {  	[tilespmem:s14+$0x0] =	vst v12  }
0xe6: {  	v12 =	vld.idx.msk [tilespmem:v11+s30+$0x0], $0xffff;
	_ =	sdelay $0x2  }
0xe7: {  	s12 =	sadd.s32 $0x1, s12  }
0xe8: {  	s21 =	sadd.s32 s13, s10;
	p0 =	sne.s32 s12, $0x8  }
.Ltmp2:
0xe9: {  	s22 =	sadd.s32 s13, s9;
	[tilespmem:s21+$0x0] =	vst v12;
	(pc) =	sbr.rel @p0 .LBB2_2-.Ltmp2, $4  }
0xea: {  	s1 =	sadd.s32 $0x9FB, s1;
	s2 =	sadd.s32 $0x9FB, s2;
	s15 =	sadd.s32 s13, s8;
	[tilespmem:s22+$0x0] =	vst v11  }
0xeb: {  	s5 =	sadd.s32 $0x9FB, s5;
	s23 =	sadd.s32 s13, s7;
	s13 =	sadd.s32 s13, s6;
	[tilespmem:s15+$0x0] =	vst v8  }
0xec: {  	s11 =	sadd.s32 $0x1FF, s11;
	s10 =	sadd.s32 $0x1FF, s10;
	s9 =	sadd.s32 $0x1FF, s9;
	[tilespmem:s23+$0x0] =	vst v10  }
0xed: {  	s8 =	sadd.s32 $0x1FF, s8;
	s7 =	sadd.s32 $0x1FF, s7;
	s6 =	sadd.s32 $0x1FF, s6;
	[tilespmem:s13+$0x0] =	vst v9  }
0xee: {  	s1 =	simm.s32 $0x0;
	s2 =	rddreg [dreg:$0xd]  }
0xef: {  	[hbm4b:s2+s1] =	stream.linear.scatter [tilespmem:s31], [sflag:$0x1], $0x4FD8, $0x38;
	[tilespmem:$0x15F80] =	vst v63  }
0xf0: {  	_ =	swait.ge [sflag:s28], $0x4FD8  }
0xf1: {  	[sflag:s28] =	ssyncset.done $0x0  }
0xf2: {  	s23 =	rddreg [dreg:$0xe];
	[sflag:s28] =	ssyncadd.s32 $0xFFFFB028  }
0xf3: {  	[hbm4b:s23+s1] =	stream.linear.scatter [tilespmem:s20], [sflag:$0x1], $0x4FD8, $0x38;
	[tilespmem:$0x15F80] =	vst v63  }
0xf4: {  	_ =	swait.ge [sflag:s28], $0x4FD8  }
0xf5: {  	[sflag:s28] =	ssyncset.done $0x0  }
0xf6: {  	s31 =	rddreg [dreg:$0xf];
	[sflag:s28] =	ssyncadd.s32 $0xFFFFB028  }
0xf7: {  	[hbm4b:s31+s1] =	stream.linear.scatter [tilespmem:s3], [sflag:$0x1], $0x4FD8, $0x38;
	[tilespmem:$0x15F80] =	vst v63  }
0xf8: {  	_ =	swait.ge [sflag:s28], $0x4FD8  }
0xf9: {  	[sflag:s28] =	ssyncset.done $0x0  }
0xfa: {  	s2 =	simm.s32 $0xFF80;
	s5 =	rddreg [dreg:$0x10];
	[sflag:s28] =	ssyncadd.s32 $0xFFFFB028  }
0xfb: {  	[hbm4b:s5+s1] =	stream.linear.scatter [tilespmem:s2], [sflag:$0x1], $0xFF8, $0x38;
	[tilespmem:$0x15F80] =	vst v63  }
0xfc: {  	_ =	swait.ge [sflag:s28], $0xFF8  }
0xfd: {  	[sflag:s28] =	ssyncset.done $0x0  }
0xfe: {  	s5 =	simm.s32 $0x10F80;
	s6 =	rddreg [dreg:$0x11];
	[sflag:s28] =	ssyncadd.s32 $0xFFFFF008  }
0xff: {  	[hbm4b:s6+s1] =	stream.linear.scatter [tilespmem:s5], [sflag:$0x1], $0xFF8, $0x38;
	[tilespmem:$0x15F80] =	vst v63  }
0x100: {  	_ =	swait.ge [sflag:s28], $0xFF8  }
0x101: {  	[sflag:s28] =	ssyncset.done $0x0  }
0x102: {  	s6 =	simm.s32 $0x11F80;
	s7 =	rddreg [dreg:$0x12];
	[sflag:s28] =	ssyncadd.s32 $0xFFFFF008  }
0x103: {  	[hbm4b:s7+s1] =	stream.linear.scatter [tilespmem:s6], [sflag:$0x1], $0xFF8, $0x38;
	[tilespmem:$0x15F80] =	vst v63  }
0x104: {  	_ =	swait.ge [sflag:s28], $0xFF8  }
0x105: {  	[sflag:s28] =	ssyncset.done $0x0  }
0x106: {  	s7 =	simm.s32 $0x12F80;
	s8 =	rddreg [dreg:$0x13];
	[sflag:s28] =	ssyncadd.s32 $0xFFFFF008  }
0x107: {  	[hbm4b:s8+s1] =	stream.linear.scatter [tilespmem:s7], [sflag:$0x1], $0xFF8, $0x38;
	[tilespmem:$0x15F80] =	vst v63  }
0x108: {  	_ =	swait.ge [sflag:s28], $0xFF8  }
0x109: {  	[sflag:s28] =	ssyncset.done $0x0  }
0x10a: {  	s8 =	simm.s32 $0x13F80;
	s9 =	rddreg [dreg:$0x17];
	[sflag:s28] =	ssyncadd.s32 $0xFFFFF008  }
0x10b: {  	[hbm4b:s9+s1] =	stream.linear.scatter [tilespmem:s8], [sflag:$0x1], $0xFF8, $0x38;
	[tilespmem:$0x15F80] =	vst v63  }
0x10c: {  	_ =	swait.ge [sflag:s28], $0xFF8  }
0x10d: {  	[sflag:s28] =	ssyncset.done $0x0  }
0x10e: {  	s9 =	simm.s32 $0x14F80;
	s10 =	rddreg [dreg:$0x18];
	[sflag:s28] =	ssyncadd.s32 $0xFFFFF008  }
0x10f: {  	[hbm4b:s10+s1] =	stream.linear.scatter [tilespmem:s9], [sflag:$0x1], $0xFF8, $0x38;
	[tilespmem:$0x15F80] =	vst v63  }
0x110: {  	_ =	swait.ge [sflag:s28], $0xFF8  }
0x111: {  	s19 =	simm.s32 $0xFA0;
	s21 =	simm.s32 $0xAFA0;
	[sflag:s28] =	ssyncset.done $0x0  }
0x112: {  	s12 =	simm.s32 $0x5FA0;
	s13 =	simm.s32 $0x0;
	[sflag:s28] =	ssyncadd.s32 $0xFFFFF008  }
.LBB2_8:
0x113: {  	s10 =	sor.u32 s26, s13  }
0x114: {  	s11 =	smul.u32 $0x5, s10  }
0x115: {  	s14 =	simm.s32 $0x0  }
0x116: {  	v8 =	vor.u32 s14, v5;
	v12 =	vmov s11  }
0x117: {  	v9 =	vadd.s32 s11, v0;
	vm8 =	vlt.u32 v8, v12  }
0x118: {  	v11 =	vsel vm8, $0x0, v6  }
0x119: {  	v11 =	vadd.s32 v8, v11  }
0x11a: {  	v10 =	vadd.s32 s11, v1  }
0x11b: {  	v13 =	vadd.s32 s11, v2  }
0x11c: {  	v16 =	vld.idx.msk [tilespmem:v9+s4+$0x0], $0xffff;
	v9 =	vadd.s32 s11, v4  }
0x11d: {  	v17 =	vadd.s32 s11, v3  }
0x11e: {  	s17 =	simm.s32 $0x10;
	v8 =	vmov s10;
	v18 =	vld.idx.msk [tilespmem:v11+s1+$0x0], $0xffff  }
0x11f: {  	v19 =	vor.u32 s17, v5;
	v15 =	vld.idx.msk [tilespmem:v10+s4+$0x0], $0xffff  }
0x120: {  	vm8 =	vlt.u32 v19, v12;
	v14 =	vld.idx.msk [tilespmem:v13+s4+$0x0], $0xffff  }
0x121: {  	v11 =	vld.idx.msk [tilespmem:v9+s4+$0x0], $0xffff;
	v9 =	vsel vm8, $0x0, v6  }
0x122: {  	v13 =	vld.idx.msk [tilespmem:v17+s4+$0x0], $0xffff;
	v17 =	vadd.s32 v19, v9  }
0x123: {  	v10 =	vld.idx.msk [tilespmem:v8+s29+$0x0], $0xffff;
	v19 =	vmin.f32 v18, v16;
	v20 =	vmax.f32 v18, v16  }
0x124: {  	v9 =	vld.idx.msk [tilespmem:v8+s30+$0x0], $0xffff;
	[tilespmem:s12+$0xFFFFFFE0] =	vst v18;
	v18 =	vsel vm0, v20, v19  }
0x125: {  	[tilespmem:s19+$0xFFFFFFE0] =	vst v16;
	v18 =	vsel vm1, v16, v18  }
0x126: {  	[tilespmem:s21+$0xFFFFFFE0] =	vst v18  }
0x127: {  	s18 =	simm.s32 $0x20;
	v17 =	vld.idx.msk [tilespmem:v17+s1+$0x0], $0xffff  }
0x128: {  	v18 =	vor.u32 s18, v5  }
0x129: {  	vm8 =	vlt.u32 v18, v12  }
0x12a: {  	v19 =	vsel vm8, $0x0, v6  }
0x12b: {  	v18 =	vadd.s32 v18, v19  }
0x12c: {  	v19 =	vmin.f32 v17, v15;
	v20 =	vmax.f32 v17, v15  }
0x12d: {  	[tilespmem:s12+$0xFFFFFFF0] =	vst v17;
	v17 =	vsel vm2, v19, v20  }
0x12e: {  	[tilespmem:s19+$0xFFFFFFF0] =	vst v15;
	v17 =	vsel vm3, v17, v15  }
0x12f: {  	[tilespmem:s21+$0xFFFFFFF0] =	vst v17  }
0x130: {  	s22 =	simm.s32 $0x30;
	v17 =	vld.idx.msk [tilespmem:v18+s1+$0x0], $0xffff  }
0x131: {  	v18 =	vor.u32 s22, v5  }
0x132: {  	vm8 =	vlt.u32 v18, v12  }
0x133: {  	v19 =	vsel vm8, $0x0, v6  }
0x134: {  	v18 =	vadd.s32 v18, v19  }
0x135: {  	v19 =	vmin.f32 v17, v14;
	v20 =	vmax.f32 v17, v14  }
0x136: {  	[tilespmem:s12+$0x0] =	vst v17;
	v17 =	vsel vm4, v19, v20  }
0x137: {  	[tilespmem:s19+$0x0] =	vst v14;
	v17 =	vsel vm5, v17, v14  }
0x138: {  	[tilespmem:s21+$0x0] =	vst v17  }
0x139: {  	s23 =	simm.s32 $0x40;
	v17 =	vld.idx.msk [tilespmem:v18+s1+$0x0], $0xffff  }
0x13a: {  	v18 =	vor.u32 s23, v5  }
0x13b: {  	vm8 =	vlt.u32 v18, v12  }
0x13c: {  	v19 =	vsel vm8, $0x0, v6  }
0x13d: {  	v18 =	vadd.s32 v18, v19  }
0x13e: {  	v19 =	vmin.f32 v17, v13;
	v20 =	vmax.f32 v17, v13  }
0x13f: {  	[tilespmem:s12+$0x10] =	vst v17;
	v17 =	vsel vm2, v20, v19  }
0x140: {  	[tilespmem:s19+$0x10] =	vst v13;
	v17 =	vsel vm6, v17, v13  }
0x141: {  	[tilespmem:s21+$0x10] =	vst v17  }
0x142: {  	v17 =	vld.idx.msk [tilespmem:v18+s1+$0x0], $0xffff;
	_ =	sdelay $0x1  }
0x143: {  	s31 =	simm.s32 $0x50  }
0x144: {  	v18 =	vor.u32 s31, v5  }
0x145: {  	vm8 =	vlt.u32 v18, v12  }
0x146: {  	v19 =	vmin.f32 v17, v11;
	v20 =	vmax.f32 v17, v11;
	[tilespmem:s12+$0x20] =	vst v17;
	v17 =	vsel vm8, $0x0, v6  }
0x147: {  	s15 =	sadd.s32 $0x50, s12;
	v17 =	vadd.s32 v18, v17  }
0x148: {  	s16 =	simm.s32 $0x0;
	s17 =	simm.s32 $0x90;
	s14 =	sadd.s32 $0x50, s21;
	v19 =	vsel vm4, v20, v19  }
0x149: {  	s10 =	smov.u32 s19;
	s11 =	smov.u32 s21;
	s22 =	simm.s32 $0xE0;
	[tilespmem:s19+$0x20] =	vst v11;
	v18 =	vsel vm7, v19, v11  }
.LBB2_9:
0x14a: {  	s18 =	simm.s32 $0x0;
	s10 =	sadd.s32 $0x50, s10  }
0x14b: {  	[tilespmem:s11+$0x20] =	vst v18;
	s23 =	smov.u32 s22;
	s31 =	sadd.s32 $0x50, s22;
	s11 =	smov.u32 s14  }
0x14c: {  	p0 =	sne.s32 s22, $0x9F0;
	v17 =	vld.idx.msk [tilespmem:v17+s16+$0x0], $0xffff  }
0x14d: {  	s22 =	sadd.s32 $0xFFFFFFD0, s17  }
0x14e: {  	v18 =	vor.u32 s22, v5  }
0x14f: {  	vm8 =	vlt.u32 v18, v12  }
0x150: {  	v19 =	vsel vm8, $0x0, v6  }
0x151: {  	v18 =	vadd.s32 v18, v19  }
0x152: {  	v19 =	vmin.f32 v17, v16;
	v20 =	vmax.f32 v17, v16  }
0x153: {  	[tilespmem:s15+$0xFFFFFFE0] =	vst v17;
	v17 =	vsel vm0, v20, v19  }
0x154: {  	[tilespmem:s10+$0xFFFFFFE0] =	vst v16;
	v17 =	vsel vm1, v16, v17  }
0x155: {  	[tilespmem:s14+$0xFFFFFFE0] =	vst v17  }
0x156: {  	v17 =	vld.idx.msk [tilespmem:v18+s16+$0x0], $0xffff  }
0x157: {  	s22 =	sadd.s32 $0xFFFFFFE0, s17  }
0x158: {  	v18 =	vor.u32 s22, v5  }
0x159: {  	vm8 =	vlt.u32 v18, v12  }
0x15a: {  	v19 =	vsel vm8, $0x0, v6  }
0x15b: {  	v18 =	vadd.s32 v18, v19  }
0x15c: {  	v19 =	vmin.f32 v17, v15;
	v20 =	vmax.f32 v17, v15  }
0x15d: {  	[tilespmem:s15+$0xFFFFFFF0] =	vst v17;
	v17 =	vsel vm2, v19, v20  }
0x15e: {  	[tilespmem:s10+$0xFFFFFFF0] =	vst v15;
	v17 =	vsel vm3, v17, v15  }
0x15f: {  	[tilespmem:s14+$0xFFFFFFF0] =	vst v17  }
0x160: {  	v17 =	vld.idx.msk [tilespmem:v18+s16+$0x0], $0xffff  }
0x161: {  	s22 =	sadd.s32 $0xFFFFFFF0, s17  }
0x162: {  	v18 =	vor.u32 s22, v5  }
0x163: {  	vm8 =	vlt.u32 v18, v12  }
0x164: {  	v19 =	vsel vm8, $0x0, v6  }
0x165: {  	v18 =	vadd.s32 v18, v19  }
0x166: {  	v19 =	vmin.f32 v17, v14;
	[tilespmem:s15+$0x0] =	vst v17;
	v17 =	vmax.f32 v17, v14  }
0x167: {  	[tilespmem:s10+$0x0] =	vst v14;
	v17 =	vsel vm4, v19, v17  }
0x168: {  	v17 =	vsel vm5, v17, v14  }
0x169: {  	[tilespmem:s14+$0x0] =	vst v17  }
0x16a: {  	v17 =	vld.idx.msk [tilespmem:v18+s16+$0x0], $0xffff;
	_ =	sdelay $0x1  }
0x16b: {  	v18 =	vor.u32 s17, v5;
	s17 =	smov.u32 s23  }
0x16c: {  	vm8 =	vlt.u32 v18, v12  }
0x16d: {  	v19 =	vsel vm8, $0x0, v6  }
0x16e: {  	v18 =	vadd.s32 v18, v19  }
0x16f: {  	v19 =	vmin.f32 v17, v13;
	[tilespmem:s15+$0x10] =	vst v17;
	v17 =	vmax.f32 v17, v13  }
0x170: {  	[tilespmem:s10+$0x10] =	vst v13;
	v17 =	vsel vm2, v17, v19  }
0x171: {  	v17 =	vsel vm6, v17, v13  }
0x172: {  	[tilespmem:s14+$0x10] =	vst v17  }
0x173: {  	v18 =	vld.idx.msk [tilespmem:v18+s16+$0x0], $0xffff;
	s16 =	smov.u32 s18  }
0x174: {  	s22 =	sadd.s32 $0xFFFFFFC0, s17  }
0x175: {  	v17 =	vor.u32 s22, v5  }
0x176: {  	vm8 =	vlt.u32 v17, v12  }
.Ltmp3:
0x177: {  	v19 =	vsel vm8, $0x0, v6;
	(pc) =	sbr.rel @p0 .LBB2_9-.Ltmp3, $4  }
0x178: {  	v17 =	vadd.s32 v17, v19  }
0x179: {  	v19 =	vmin.f32 v18, v11;
	[tilespmem:s15+$0x20] =	vst v18;
	v18 =	vmax.f32 v18, v11  }
0x17a: {  	[tilespmem:s10+$0x20] =	vst v11;
	v18 =	vsel vm4, v18, v19  }
0x17b: {  	s14 =	sadd.s32 $0x50, s14;
	s22 =	smov.u32 s31;
	s15 =	sadd.s32 $0x50, s15;
	v18 =	vsel vm7, v18, v11  }
0x17c: {  	_ =	sdelay $0x2  }
0x17d: {  	[tilespmem:s11+$0x20] =	vst v18  }
0x17e: {  	s22 =	sadd.s32 $0xFFFFFFD0, s17;
	v17 =	vld.idx.msk [tilespmem:v17+s16+$0x0], $0xffff  }
0x17f: {  	v51 =	vor.u32 s22, v5  }
0x180: {  	vm8 =	vlt.u32 v51, v12  }
0x181: {  	v19 =	vsel vm8, $0x0, v6  }
0x182: {  	v18 =	vadd.s32 v51, v19  }
0x183: {  	v52 =	vmin.f32 v17, v16;
	v20 =	vmax.f32 v17, v16  }
0x184: {  	s10 =	sadd.s32 $0x50, s10;
	[tilespmem:s15+$0xFFFFFFE0] =	vst v17;
	v53 =	vsel vm0, v20, v52  }
0x185: {  	[tilespmem:s10+$0xFFFFFFE0] =	vst v16;
	v54 =	vsel vm1, v16, v53  }
0x186: {  	[tilespmem:s14+$0xFFFFFFE0] =	vst v54  }
0x187: {  	s23 =	sadd.s32 $0xFFFFFFE0, s17;
	v16 =	vld.idx.msk [tilespmem:v18+s16+$0x0], $0xffff  }
0x188: {  	v55 =	vor.u32 s23, v5  }
0x189: {  	vm8 =	vlt.u32 v55, v12  }
0x18a: {  	v56 =	vsel vm8, $0x0, v6  }
0x18b: {  	v17 =	vadd.s32 v55, v56  }
0x18c: {  	v57 =	vmin.f32 v16, v15;
	v58 =	vmax.f32 v16, v15  }
0x18d: {  	[tilespmem:s15+$0xFFFFFFF0] =	vst v16;
	v59 =	vsel vm2, v57, v58  }
0x18e: {  	[tilespmem:s10+$0xFFFFFFF0] =	vst v15;
	v15 =	vsel vm3, v59, v15  }
0x18f: {  	[tilespmem:s14+$0xFFFFFFF0] =	vst v15  }
0x190: {  	s31 =	sadd.s32 $0xFFFFFFF0, s17;
	v15 =	vld.idx.msk [tilespmem:v17+s16+$0x0], $0xffff  }
0x191: {  	v60 =	vor.u32 s31, v5  }
0x192: {  	vm8 =	vlt.u32 v60, v12  }
0x193: {  	v61 =	vsel vm8, $0x0, v6  }
0x194: {  	v16 =	vadd.s32 v60, v61  }
0x195: {  	v62 =	vmin.f32 v15, v14;
	v63 =	vmax.f32 v15, v14  }
0x196: {  	[tilespmem:s15+$0x0] =	vst v15;
	v15 =	vsel vm4, v62, v63  }
0x197: {  	[tilespmem:s10+$0x0] =	vst v14;
	v14 =	vsel vm5, v15, v14  }
0x198: {  	[tilespmem:s14+$0x0] =	vst v14  }
0x199: {  	v14 =	vld.idx.msk [tilespmem:v16+s16+$0x0], $0xffff  }
0x19a: {  	v15 =	vor.u32 s17, v5  }
0x19b: {  	vm8 =	vlt.u32 v15, v12  }
0x19c: {  	v12 =	vsel vm8, $0x0, v6  }
0x19d: {  	v12 =	vadd.s32 v15, v12  }
0x19e: {  	v15 =	vmin.f32 v14, v13;
	v16 =	vmax.f32 v14, v13  }
0x19f: {  	[tilespmem:s15+$0x10] =	vst v14;
	v14 =	vsel vm2, v16, v15  }
0x1a0: {  	[tilespmem:s10+$0x10] =	vst v13;
	v13 =	vsel vm6, v14, v13  }
0x1a1: {  	[tilespmem:s14+$0x10] =	vst v13  }
0x1a2: {  	v12 =	vld.idx.msk [tilespmem:v12+s16+$0x0], $0xffff  }
0x1a3: {  	v13 =	vor.u32 s18, v5  }
0x1a4: {  	vm8 =	vge.u32 v13, v8  }
0x1a5: {  	v14 =	vsel vm8, $0x1, v7  }
0x1a6: {  	v13 =	vadd.s32 v14, v13  }
0x1a7: {  	v14 =	vmin.f32 v12, v11;
	v15 =	vmax.f32 v12, v11  }
0x1a8: {  	[tilespmem:s15+$0x20] =	vst v12;
	v12 =	vsel vm4, v15, v14  }
0x1a9: {  	[tilespmem:s10+$0x20] =	vst v11;
	v11 =	vsel vm7, v12, v11  }
0x1aa: {  	[tilespmem:s14+$0x20] =	vst v11  }
0x1ab: {  	v11 =	vld.idx.msk [tilespmem:v13+s29+$0x0], $0xffff;
	_ =	sdelay $0x3  }
0x1ac: {  	s17 =	sadd.s32 $0x0, s5  }
0x1ad: {  	[tilespmem:s17+$0x0] =	vst v11  }
0x1ae: {  	v11 =	vld.idx.msk [tilespmem:v13+s30+$0x0], $0xffff;
	_ =	sdelay $0x1  }
0x1af: {  	s10 =	simm.s32 $0x10  }
0x1b0: {  	v12 =	vor.u32 s10, v5  }
0x1b1: {  	s18 =	sadd.s32 $0x0, s7;
	vm8 =	vge.u32 v12, v8  }
0x1b2: {  	[tilespmem:s18+$0x0] =	vst v11;
	v11 =	vsel vm8, $0x1, v7  }
0x1b3: {  	s22 =	sadd.s32 $0x0, s9;
	v12 =	vadd.s32 v11, v12  }
0x1b4: {  	s23 =	sadd.s32 $0x0, s8;
	[tilespmem:s22+$0x0] =	vst v13  }
0x1b5: {  	s31 =	sadd.s32 $0x0, s2;
	[tilespmem:s23+$0x0] =	vst v8  }
0x1b6: {  	s11 =	simm.s32 $0x40;
	s15 =	sadd.s32 $0x0, s6;
	s14 =	simm.s32 $0x80;
	[tilespmem:s31+$0x0] =	vst v10;
	v11 =	vmov v12  }
.LBB2_11:
0x1b7: {  	p0 =	sne.s32 s14, $0x7C0;
	[tilespmem:s15+$0x0] =	vst v9;
	s15 =	smov.u32 s14;
	s14 =	sadd.s32 $0x40, s14  }
0x1b8: {  	v12 =	vld.idx.msk [tilespmem:v12+s29+$0x0], $0xffff;
	_ =	sdelay $0x3  }
0x1b9: {  	s16 =	sshra.s32 s11, $0x2;
	s11 =	smov.u32 s15  }
0x1ba: {  	s15 =	sadd.s32 s16, s5  }
0x1bb: {  	[tilespmem:s15+$0x0] =	vst v12  }
0x1bc: {  	v13 =	vld.idx.msk [tilespmem:v11+s30+$0x0], $0xffff;
	_ =	sdelay $0x1  }
0x1bd: {  	s10 =	sadd.s32 $0x10, s10  }
0x1be: {  	v12 =	vor.u32 s10, v5  }
0x1bf: {  	vm8 =	vge.u32 v12, v8  }
.Ltmp4:
0x1c0: {  	s15 =	sadd.s32 s16, s7;
	v14 =	vsel vm8, $0x1, v7;
	(pc) =	sbr.rel @p0 .LBB2_11-.Ltmp4, $4  }
0x1c1: {  	v12 =	vadd.s32 v14, v12;
	[tilespmem:s15+$0x0] =	vst v13;
	s15 =	sadd.s32 s16, s9  }
0x1c2: {  	[tilespmem:s15+$0x0] =	vst v11;
	s15 =	sadd.s32 s16, s8;
	v11 =	vmov v12  }
0x1c3: {  	[tilespmem:s15+$0x0] =	vst v8;
	s15 =	sadd.s32 s16, s2  }
0x1c4: {  	[tilespmem:s15+$0x0] =	vst v10;
	s15 =	sadd.s32 s16, s6  }
0x1c5: {  	_ =	sdelay $0x2  }
0x1c6: {  	[tilespmem:s15+$0x0] =	vst v9  }
0x1c7: {  	v12 =	vld.idx.msk [tilespmem:v12+s29+$0x0], $0xffff;
	_ =	sdelay $0x2  }
0x1c8: {  	s10 =	sshra.s32 s11, $0x2  }
0x1c9: {  	s11 =	sadd.s32 s10, s5  }
0x1ca: {  	[tilespmem:s11+$0x0] =	vst v12  }
0x1cb: {  	v12 =	vld.idx.msk [tilespmem:v11+s30+$0x0], $0xffff;
	_ =	sdelay $0x2  }
0x1cc: {  	s13 =	sadd.s32 $0x1, s13  }
0x1cd: {  	s22 =	sadd.s32 s10, s7;
	p0 =	sne.s32 s13, $0x8  }
.Ltmp5:
0x1ce: {  	s23 =	sadd.s32 s10, s9;
	[tilespmem:s22+$0x0] =	vst v12;
	(pc) =	sbr.rel @p0 .LBB2_8-.Ltmp5, $4  }
0x1cf: {  	s19 =	sadd.s32 $0x9FB, s19;
	s21 =	sadd.s32 $0x9FB, s21;
	s14 =	sadd.s32 s10, s8;
	[tilespmem:s23+$0x0] =	vst v11  }
0x1d0: {  	s12 =	sadd.s32 $0x9FB, s12;
	s31 =	sadd.s32 s10, s2;
	s10 =	sadd.s32 s10, s6;
	[tilespmem:s14+$0x0] =	vst v8  }
0x1d1: {  	s5 =	sadd.s32 $0x1FF, s5;
	s7 =	sadd.s32 $0x1FF, s7;
	s9 =	sadd.s32 $0x1FF, s9;
	[tilespmem:s31+$0x0] =	vst v10  }
0x1d2: {  	s8 =	sadd.s32 $0x1FF, s8;
	s2 =	sadd.s32 $0x1FF, s2;
	s6 =	sadd.s32 $0x1FF, s6;
	[tilespmem:s10+$0x0] =	vst v9  }
0x1d3: {  	s1 =	rddreg [dreg:$0x14];
	s31 =	simm.s32 $0xF80  }
0x1d4: {  	[hbm4b:s1+s4] =	stream.linear.scatter [tilespmem:s31], [sflag:$0x1], $0x4FD8, $0x38;
	[tilespmem:$0x15F80] =	vst v63  }
0x1d5: {  	_ =	swait.ge [sflag:s28], $0x4FD8  }
0x1d6: {  	[sflag:s28] =	ssyncset.done $0x0  }
0x1d7: {  	s10 =	rddreg [dreg:$0x15];
	[sflag:s28] =	ssyncadd.s32 $0xFFFFB028  }
0x1d8: {  	[hbm4b:s10+s4] =	stream.linear.scatter [tilespmem:s20], [sflag:$0x1], $0x4FD8, $0x38;
	[tilespmem:$0x15F80] =	vst v63  }
0x1d9: {  	_ =	swait.ge [sflag:s28], $0x4FD8  }
0x1da: {  	[sflag:s28] =	ssyncset.done $0x0  }
0x1db: {  	s11 =	rddreg [dreg:$0x16];
	[sflag:s28] =	ssyncadd.s32 $0xFFFFB028  }
0x1dc: {  	[hbm4b:s11+s4] =	stream.linear.scatter [tilespmem:s3], [sflag:$0x1], $0x4FD8, $0x38;
	[tilespmem:$0x15F80] =	vst v63  }
0x1dd: {  	_ =	swait.ge [sflag:s28], $0x4FD8  }
0x1de: {  	[sflag:s28] =	ssyncset.done $0x0  }
0x1df: {  	s2 =	simm.s32 $0xFF80;
	s12 =	rddreg [dreg:$0x19];
	[sflag:s28] =	ssyncadd.s32 $0xFFFFB028  }
0x1e0: {  	[hbm4b:s12+s4] =	stream.linear.scatter [tilespmem:s2], [sflag:$0x1], $0xFF8, $0x38;
	[tilespmem:$0x15F80] =	vst v63  }
0x1e1: {  	_ =	swait.ge [sflag:s28], $0xFF8  }
0x1e2: {  	[sflag:s28] =	ssyncset.done $0x0  }
0x1e3: {  	s14 =	simm.s32 $0x10F80;
	s13 =	rddreg [dreg:$0x1a];
	[sflag:s28] =	ssyncadd.s32 $0xFFFFF008  }
0x1e4: {  	[hbm4b:s13+s4] =	stream.linear.scatter [tilespmem:s14], [sflag:$0x1], $0xFF8, $0x38;
	[tilespmem:$0x15F80] =	vst v63  }
0x1e5: {  	_ =	swait.ge [sflag:s28], $0xFF8  }
0x1e6: {  	[sflag:s28] =	ssyncset.done $0x0  }
0x1e7: {  	s16 =	simm.s32 $0x11F80;
	s15 =	rddreg [dreg:$0x1b];
	[sflag:s28] =	ssyncadd.s32 $0xFFFFF008  }
0x1e8: {  	[hbm4b:s15+s4] =	stream.linear.scatter [tilespmem:s16], [sflag:$0x1], $0xFF8, $0x38;
	[tilespmem:$0x15F80] =	vst v63  }
0x1e9: {  	_ =	swait.ge [sflag:s28], $0xFF8  }
0x1ea: {  	[sflag:s28] =	ssyncset.done $0x0  }
0x1eb: {  	s18 =	simm.s32 $0x12F80;
	s17 =	rddreg [dreg:$0x1c];
	[sflag:s28] =	ssyncadd.s32 $0xFFFFF008  }
0x1ec: {  	[hbm4b:s17+s4] =	stream.linear.scatter [tilespmem:s18], [sflag:$0x1], $0xFF8, $0x38;
	[tilespmem:$0x15F80] =	vst v63  }
0x1ed: {  	_ =	swait.ge [sflag:s28], $0xFF8  }
0x1ee: {  	[sflag:s28] =	ssyncset.done $0x0  }
0x1ef: {  	s21 =	simm.s32 $0x13F80;
	s19 =	rddreg [dreg:$0x1d];
	[sflag:s28] =	ssyncadd.s32 $0xFFFFF008  }
0x1f0: {  	[hbm4b:s19+s4] =	stream.linear.scatter [tilespmem:s21], [sflag:$0x1], $0xFF8, $0x38;
	[tilespmem:$0x15F80] =	vst v63  }
0x1f1: {  	s0 =	sadd.s32 $0x1, s0;
	_ =	swait.ge [sflag:s28], $0xFF8  }
0x1f2: {  	s23 =	simm.s32 $0x14F80;
	p0 =	sne.s32 s0, s25;
	[sflag:s28] =	ssyncset.done $0x0  }
.Ltmp6:
0x1f3: {  	s22 =	rddreg [dreg:$0x1e];
	[sflag:s28] =	ssyncadd.s32 $0xFFFFF008;
	(pc) =	sbr.rel @p0 .LBB2_1-.Ltmp6, $4  }
0x1f4: {  	[hbm4b:s22+s4] =	stream.linear.scatter [tilespmem:s23], [sflag:$0x1], $0xFF8, $0x38;
	[tilespmem:$0x15F80] =	vst v63  }
0x1f5: {  	_ =	swait.ge [sflag:s28], $0xFF8  }
0x1f6: {  	[sflag:s28] =	ssyncset.done $0x0  }
0x1f7: {  	[sflag:s28] =	ssyncadd.s32 $0xFFFFF008  }
0x1f8: {  	_ =	sfence.sel $0x180000  }
0x1f9: {  	[bflag:$0x0] =	sbarrier.arrive $0xFFFF  }
0x1fa: {  	_ =	strace $0x90000047  }
0x1fb: {  	s0 =	stileid.u32;
	[bflag:$0x2] =	sbarrier.arrive $0xFFFF  }
0x1fc: {  	p0 =	sne.s32 s0, $0x0;
	s0 =	rddreg [dreg:$0xc]  }
0x1fd: {  	s0 =	sadd.s32 @!p0 $0x100000, s0  }
0x1fe: {  	[sflag:s0] =	ssyncadd.tile.s32 @!p0 $0x1;
	_ =	shalt  }
.Lfunc_end2:
_tile_overlayer_lowered:
.L_overlay_start_2:
0x1ff: {  	(tag) =	ssettag $0x2  }
0x200: {  	s0 =	rddreg [dreg:$0x0];
	s2 =	stileid.u32  }
0x201: {  	s1 =	rddreg [dreg:$0x1];
	p0 =	sne.s32 s2, $0x0  }
0x202: {  	s3 =	rddreg [dreg:$0x2];
	[bflag:$0x3] =	sbarrier.arrive $0xFFFF;
	s2 =	simm.s32 @!p0 $0x1C01  }
0x203: {  	[timem:s3], [sflag:s2] =	dma.local @!p0 [hbm:s0], s1  }
0x204: {  	s0 =	simm.s32 @!p0 $0x1  }
0x205: {  	_ =	swait.ge @!p0 [sflag:s0], s1  }
0x206: {  	s1 =	ssub.s32 @!p0 $0x0, s1;
	[sflag:s0] =	ssyncset.done @!p0 $0x0  }
0x207: {  	[sflag:s0] =	ssyncadd.s32 @!p0 s1  }
0x208: {  	[bflag:$0x3] =	sbarrier.arrive $0xFFFF  }
0x209: {  	_ =	shalt  }

</sc_bundles>
